<compile_context>
chip_gen: v7x
topology: tpu7x:2x2x1
jax: 0.10.2.dev20260603
libtpu: 0.0.44.dev20260713+nightly
codegen_flags: <defaults>
</compile_context>

<pallas_src>
import functools

import jax
import jax.numpy as jnp
import numpy as np
from jax.experimental import pallas as pl
from jax.experimental.pallas import tpu as pltpu
from jax.experimental.pallas import tpu_sc as plsc

_NUM_FEATURES = 26
_EMBED_DIM = 32
_OUTPUT_DIM = 128
_VOCAB_PER_FEATURE = 100000
_TOTAL_VOCAB = _NUM_FEATURES * _VOCAB_PER_FEATURE

_WINDOW_TOK = 64
_W = _WINDOW_TOK * _NUM_FEATURES
_LANES = 16

_PAIR_K = 2 * _NUM_FEATURES * _EMBED_DIM
_BT2 = 512


def _window_perm() -> np.ndarray:
    q = np.arange(_W // 4)
    g, rem = q // 104, q % 104
    j, ri = rem // 8, rem % 8
    chunk = 13 * (8 * g + ri) + j
    return (4 * chunk[:, None] + np.arange(4)[None, :]).reshape(-1)


_PI4 = _window_perm()


def _sc_gather(idx_flat, offs_perm, perm, table128):
    n = idx_flat.shape[1]
    mesh = plsc.VectorSubcoreMesh(core_axis_name="core", subcore_axis_name="subcore")

    @functools.partial(
        pl.kernel,
        out_type=jax.ShapeDtypeStruct((n, _EMBED_DIM), jnp.float32),
        mesh=mesh,
        scratch_types=[pltpu.VMEM((_W,), jnp.int32)],
        compiler_params=pltpu.CompilerParams(
            use_tc_tiling_on_sc=False, needs_layout_passes=False
        ),
    )
    def k(idx_hbm, off_hbm, perm_hbm, tab_hbm, out_hbm, idx2):
        tab = tab_hbm

        def body(idx_vmem, off_vmem, perm_vmem, out_vmem):
            @pl.loop(0, _W, step=_LANES)
            def _(j):
                pv = perm_vmem.at[0, pl.ds(j, _LANES)][...]
                g = plsc.load_gather(idx_vmem.at[0], [pv])
                idx2.at[pl.ds(j, _LANES)][...] = (
                    g + off_vmem.at[0, pl.ds(j, _LANES)][...]
                )

            pltpu.sync_copy(tab.at[idx2], out_vmem)

        pltpu.emit_pipeline(
            body,
            grid=(n // _W,),
            in_specs=[
                pl.BlockSpec((1, _W), lambda i: (0, i)),
                pl.BlockSpec((1, _W), lambda i: (0, 0)),
                pl.BlockSpec((1, _W), lambda i: (0, 0)),
            ],
            out_specs=[pl.BlockSpec((_W, _EMBED_DIM), lambda i: (i, 0))],
            core_axis_name=("core", "subcore"),
            dimension_semantics=(pltpu.PARALLEL,),
        )(idx_hbm, off_hbm, perm_hbm, out_hbm)

    return k(idx_flat, offs_perm, perm, table128)


def _tc_project_pairs(a, w2, b2, tp):
    nseg = _PAIR_K // 128

    def body(a_ref, w_ref, b_ref, o_ref):
        x = a_ref[...].reshape(_BT2 // 8, nseg, 8, 128)
        acc = jnp.broadcast_to(b_ref[...], (_BT2, 2 * _OUTPUT_DIM))
        for j in range(nseg):
            e_j = x[:, j].reshape(_BT2, 128)
            acc = acc + jnp.dot(
                e_j, w_ref[j * 128:(j + 1) * 128, :],
                preferred_element_type=jnp.float32,
            )
        o_ref[...] = acc

    return pl.pallas_call(
        body,
        grid=(tp // _BT2,),
        in_specs=[
            pl.BlockSpec((_BT2 * nseg, 128), lambda i: (i, 0)),
            pl.BlockSpec((_PAIR_K, 2 * _OUTPUT_DIM), lambda i: (0, 0)),
            pl.BlockSpec((1, 2 * _OUTPUT_DIM), lambda i: (0, 0)),
        ],
        out_specs=pl.BlockSpec((_BT2, 2 * _OUTPUT_DIM), lambda i: (i, 0)),
        out_shape=jax.ShapeDtypeStruct((tp, 2 * _OUTPUT_DIM), jnp.float32),
    )(a, w2, b2)


def kernel(categorical_features, embedding_table, proj_W, proj_b):
    b, l, f = categorical_features.shape
    n = b * l * f
    t = b * l
    idx = categorical_features.astype(jnp.int32).reshape(1, n)
    offs_nat = np.tile(
        np.arange(_NUM_FEATURES, dtype=np.int32) * _VOCAB_PER_FEATURE,
        _WINDOW_TOK,
    )
    offs = jnp.asarray(offs_nat[_PI4].reshape(1, _W))
    perm = jnp.asarray(_PI4.astype(np.int32).reshape(1, _W))
    g4 = _TOTAL_VOCAB * _EMBED_DIM // 128
    table128 = embedding_table.reshape(g4, 128)
    table128 = jax.lax.optimization_barrier(table128)
    table_rm = table128.reshape(_TOTAL_VOCAB, _EMBED_DIM)

    emb = _sc_gather(idx, offs, perm, table_rm)

    a = emb.reshape(n * _EMBED_DIM // 128, 128)
    kdim = f * _EMBED_DIM
    w2 = jnp.zeros((_PAIR_K, 2 * _OUTPUT_DIM), jnp.float32)
    w2 = w2.at[:kdim, :_OUTPUT_DIM].set(proj_W)
    w2 = w2.at[kdim:, _OUTPUT_DIM:].set(proj_W)
    b2 = jnp.tile(proj_b, 2).reshape(1, 2 * _OUTPUT_DIM)

    out2 = _tc_project_pairs(a, w2, b2, t // 2)
    return out2.reshape(b, l, _OUTPUT_DIM)

# --- scband reference (transcript-rebuilt; emitter-appended) ---
"""Pipeline reference for scband-categorical-embedding-26637387170412 (READ-ONLY COPY).

The authoritative reference and input builder live on the scoring server;
editing this copy changes nothing except your own understanding.
"""

import jax, jax.numpy as jnp
import numpy as np

NUM_FEATURES = 26
VOCAB_PER_FEATURE = 100000
EMBED_DIM = 32
OUTPUT_DIM = 128
BATCH = 4096
SEQ_LEN = 20

SIZES = [VOCAB_PER_FEATURE] * NUM_FEATURES
TOTAL_VOCAB = sum(SIZES)
OFFSETS = np.cumsum([0] + SIZES[:-1]).astype(np.int64)


def setup_inputs(seed: int = 0) -> dict:
    key = jax.random.key(seed)
    k_idx, k_tab, k_w, k_b = jax.random.split(key, 4)
    categorical_features = jax.random.randint(
        k_idx, (BATCH, SEQ_LEN, NUM_FEATURES), 0, VOCAB_PER_FEATURE, dtype=jnp.int64
    )
    embedding_table = jax.random.normal(k_tab, (TOTAL_VOCAB, EMBED_DIM), dtype=jnp.float32)
    proj_W = jax.random.normal(k_w, (NUM_FEATURES * EMBED_DIM, OUTPUT_DIM), dtype=jnp.float32) * 0.02
    proj_b = jnp.zeros((OUTPUT_DIM,), dtype=jnp.float32)
    return {
        "categorical_features": categorical_features,
        "embedding_table": embedding_table,
        "proj_W": proj_W,
        "proj_b": proj_b,
    }


def reference(categorical_features, embedding_table, proj_W, proj_b):
    offsets = jnp.asarray(OFFSETS, dtype=jnp.int64)
    x = categorical_features.astype(jnp.int64) + offsets  # (b, l, f)
    emb = jnp.take(embedding_table, x, axis=0)  # (b, l, f, d)
    b, l, f, d = emb.shape
    emb = emb.reshape(b, l, f * d)  # 'b l f d -> b l (f d)'
    out = emb @ proj_W + proj_b  # (b, l, output_dim)
    return out

if __name__ == "__main__":
    import jax
    _d = setup_inputs()
    print(jax.jit(kernel)(*tuple(_d.values())))

</pallas_src>

<mosaic_0001>
#map = affine_map<(d0, d1) -> (0, 0)>
module attributes {stable_mosaic.version = 14 : i64} {
  func.func @k(%arg0: i32, %arg1: i32, %arg2: memref<1x2129920xi32, #tpu.memory_space<hbm>>, %arg3: memref<1x1664xi32, #tpu.memory_space<hbm>>, %arg4: memref<1x1664xi32, #tpu.memory_space<hbm>>, %arg5: memref<2600000x32xf32, #tpu.memory_space<hbm>>, %arg6: memref<2129920x32xf32, #tpu.memory_space<hbm>>, %arg7: memref<1664xi32, #tpu.memory_space<vmem>>) attributes {dimension_semantics = [#tpu.dimension_semantics<core_parallel>, #tpu.dimension_semantics<subcore_parallel>], iteration_bounds = array<i64: 2, 16>, scalar_prefetch = 0 : i64, scratch_operands = 1 : i64, tpu.core_type = #tpu.core_type<sc_vector_subcore>, window_params = [{transform_indices = #map}, {transform_indices = #map}, {transform_indices = #map}, {transform_indices = #map}, {transform_indices = #map}]} {
    %mul3A = arith.constant 1 : i32
    %mul3A_0 = arith.muli %arg1, %mul3A : i32
    %add3A = arith.constant 0 : i32
    %add3A_1 = arith.addi %add3A, %mul3A_0 : i32
    %mul3A_2 = arith.constant 16 : i32
    %mul3A_3 = arith.muli %arg0, %mul3A_2 : i32
    %add3A_4 = arith.addi %add3A_1, %mul3A_3 : i32
    %mul3A_5 = arith.constant 40 : i32
    %mul3A_6 = arith.muli %add3A_4, %mul3A_5 : i32
    "tpu.region"() ({
      %run_scoped3A = memref.alloca() : memref<2x1x1664xi32, #tpu.memory_space<vmem>>
      %run_scoped3A_7 = tpu.sem_alloc : memref<2x!tpu.dma_semaphore, #tpu.memory_space<semaphore_mem>>
      %run_scoped3A_8 = memref.alloca() : memref<1x1664xi32, #tpu.memory_space<vmem>>
      %run_scoped3A_9 = memref.alloca() : memref<1x1664xi32, #tpu.memory_space<vmem>>
      %run_scoped3A_10 = memref.alloca() : memref<2x1664x32xf32, #tpu.memory_space<vmem>>
      %run_scoped3A_11 = tpu.sem_alloc : memref<2x!tpu.dma_semaphore, #tpu.memory_space<semaphore_mem>>
      %add3A_12 = arith.constant 0 : i32
      %add3A_13 = arith.addi %add3A_12, %mul3A_6 : i32
      %select_n3A = arith.constant true
      %select_n3A_14 = arith.constant 0 : i32
      %select_n3A_15 = arith.constant -1 : i32
      %select_n3A_16 = arith.select %select_n3A, %select_n3A_15, %select_n3A_14 : i32
      %eq3A = arith.constant -1 : i32
      %eq3A_17 = arith.cmpi eq, %select_n3A_16, %eq3A : i32
      %select_n3A_18 = arith.constant 39 : i32
      %select_n3A_19 = arith.select %eq3A_17, %select_n3A_18, %select_n3A_16 : i32
      %add3A_20 = arith.addi %select_n3A_19, %mul3A_6 : i32
      %select_n3A_21 = arith.constant true
      %select_n3A_22 = arith.constant 0 : i32
      %select_n3A_23 = arith.constant 1 : i32
      %select_n3A_24 = arith.select %select_n3A_21, %select_n3A_23, %select_n3A_22 : i32
      %eq3A_25 = arith.constant 40 : i32
      %eq3A_26 = arith.cmpi eq, %select_n3A_24, %eq3A_25 : i32
      %select_n3A_27 = arith.constant 0 : i32
      %select_n3A_28 = arith.select %eq3A_26, %select_n3A_27, %select_n3A_24 : i32
      %add3A_29 = arith.addi %select_n3A_28, %mul3A_6 : i32
      %add3A_30 = arith.constant 1 : i32
      %add3A_31 = arith.addi %select_n3A_28, %add3A_30 : i32
      %select_n3A_32 = arith.constant true
      %select_n3A_33 = arith.select %select_n3A_32, %add3A_31, %select_n3A_28 : i32
      %eq3A_34 = arith.constant 40 : i32
      %eq3A_35 = arith.cmpi eq, %select_n3A_33, %eq3A_34 : i32
      %select_n3A_36 = arith.constant 0 : i32
      %select_n3A_37 = arith.select %eq3A_35, %select_n3A_36, %select_n3A_33 : i32
      %add3A_38 = arith.addi %select_n3A_37, %mul3A_6 : i32
      "tpu.region"() ({
        %run_scoped3A_127 = tpu.sem_alloc : memref<!tpu.dma_semaphore, #tpu.memory_space<semaphore_mem>>
        tpu.enqueue_dma source(%arg3 : memref<1x1664xi32, #tpu.memory_space<hbm>>) target(%run_scoped3A_8 : memref<1x1664xi32, #tpu.memory_space<vmem>>) target_semaphore(%run_scoped3A_127 : memref<!tpu.dma_semaphore, #tpu.memory_space<semaphore_mem>>)
        tpu.wait_dma2 semaphore(%run_scoped3A_127 : memref<!tpu.dma_semaphore, #tpu.memory_space<semaphore_mem>>) src(%arg3 : memref<1x1664xi32, #tpu.memory_space<hbm>>) dst(%run_scoped3A_8 : memref<1x1664xi32, #tpu.memory_space<vmem>>)
        tpu.yield
      }) : () -> ()
      "tpu.region"() ({
        %run_scoped3A_127 = tpu.sem_alloc : memref<!tpu.dma_semaphore, #tpu.memory_space<semaphore_mem>>
        tpu.enqueue_dma source(%arg4 : memref<1x1664xi32, #tpu.memory_space<hbm>>) target(%run_scoped3A_9 : memref<1x1664xi32, #tpu.memory_space<vmem>>) target_semaphore(%run_scoped3A_127 : memref<!tpu.dma_semaphore, #tpu.memory_space<semaphore_mem>>)
        tpu.wait_dma2 semaphore(%run_scoped3A_127 : memref<!tpu.dma_semaphore, #tpu.memory_space<semaphore_mem>>) src(%arg4 : memref<1x1664xi32, #tpu.memory_space<hbm>>) dst(%run_scoped3A_9 : memref<1x1664xi32, #tpu.memory_space<vmem>>)
        tpu.yield
      }) : () -> ()
      "tpu.trace_start"() <{level = 10 : i32, message = "ep_initialize_0"}> : () -> ()
      %rem3A = arith.constant 0 : i32
      %rem3A_39 = arith.constant 2 : i32
      %rem3A_40 = arith.remui %rem3A, %rem3A_39 : i32
      %mul3A_41 = arith.constant 1664 : i32
      %mul3A_42 = arith.muli %mul3A_41, %add3A_13 : i32
      %dma_start3A = arith.constant 0 : i32
      %dma_start3A_43 = arith.constant 0 : i32
      %dma_start3A_44 = tpu.memref_slice %run_scoped3A[%rem3A_40, %dma_start3A, %dma_start3A_43] : memref<2x1x1664xi32, #tpu.memory_space<vmem>> -> memref<1x1x1664xi32, #tpu.memory_space<vmem>>
      %dma_start3A_45 = tpu.memref_squeeze %dma_start3A_44 : memref<1x1x1664xi32, #tpu.memory_space<vmem>> -> memref<1x1664xi32, #tpu.memory_space<vmem>>
      %dma_start3A_46 = arith.constant 0 : i32
      %dma_start3A_47 = tpu.memref_slice %arg2[%dma_start3A_46, %mul3A_42] : memref<1x2129920xi32, #tpu.memory_space<hbm>> -> memref<1x1664xi32, #tpu.memory_space<hbm>>
      %dma_start3A_48 = tpu.memref_slice %run_scoped3A_7[%rem3A_40] : memref<2x!tpu.dma_semaphore, #tpu.memory_space<semaphore_mem>> -> memref<1x!tpu.dma_semaphore, #tpu.memory_space<semaphore_mem>>
      %dma_start3A_49 = tpu.memref_squeeze %dma_start3A_48 : memref<1x!tpu.dma_semaphore, #tpu.memory_space<semaphore_mem>> -> memref<!tpu.dma_semaphore, #tpu.memory_space<semaphore_mem>>
      %dma_start3A_50 = arith.constant 0 : i32
      %dma_start3A_51 = arith.constant 0 : i32
      %dma_start3A_52 = tpu.memref_slice %run_scoped3A[%rem3A_40, %dma_start3A_50, %dma_start3A_51] : memref<2x1x1664xi32, #tpu.memory_space<vmem>> -> memref<1x1x1664xi32, #tpu.memory_space<vmem>>
      %dma_start3A_53 = tpu.memref_squeeze %dma_start3A_52 : memref<1x1x1664xi32, #tpu.memory_space<vmem>> -> memref<1x1664xi32, #tpu.memory_space<vmem>>
      %dma_start3A_54 = arith.constant 0 : i32
      %dma_start3A_55 = tpu.memref_slice %arg2[%dma_start3A_54, %mul3A_42] : memref<1x2129920xi32, #tpu.memory_space<hbm>> -> memref<1x1664xi32, #tpu.memory_space<hbm>>
      tpu.enqueue_dma source(%dma_start3A_55 : memref<1x1664xi32, #tpu.memory_space<hbm>>) target(%dma_start3A_53 : memref<1x1664xi32, #tpu.memory_space<vmem>>) target_semaphore(%dma_start3A_49 : memref<!tpu.dma_semaphore, #tpu.memory_space<semaphore_mem>>)
      %add3A_56 = arith.constant 0 : i32
      %add3A_57 = arith.constant 1 : i32
      %add3A_58 = arith.addi %add3A_56, %add3A_57 : i32
      %select_n3A_59 = arith.constant true
      %select_n3A_60 = arith.constant 0 : i32
      %select_n3A_61 = arith.select %select_n3A_59, %add3A_58, %select_n3A_60 : i32
      "tpu.trace_stop"() : () -> ()
      %scan3A = arith.constant 0 : i32
      %scan3A_62 = arith.constant 0 : i32
      %scan3A_63 = arith.constant 0 : i32
      %scan3A_64 = arith.constant 0 : i32
      %scan3A_65 = arith.constant 0 : i32
      %scan3A_66 = arith.constant 0 : i32
      %scan3A_67 = arith.constant 0 : i32
      %scan3A_68 = arith.constant 0 : i32
      %scan3A_69 = arith.constant 0 : i32
      %scan3A_70 = arith.constant 40 : i32
      %scan3A_71 = arith.addi %scan3A_69, %scan3A_70 : i32
      %scan3A_72 = arith.constant 1 : i32
      %scan3A_73:7 = scf.for %scan3A_127 = %scan3A_69 to %scan3A_71 step %scan3A_72 iter_args(%scan3A_128 = %select_n3A_61, %scan3A_129 = %scan3A_63, %scan3A_130 = %scan3A_64, %scan3A_131 = %scan3A_65, %scan3A_132 = %scan3A_66, %scan3A_133 = %scan3A_67, %scan3A_134 = %scan3A_68) -> (i32, i32, i32, i32, i32, i32, i32)  : i32 {
        %eq3A_135 = arith.constant 0 : i32
        %eq3A_136 = arith.cmpi eq, %scan3A_127, %eq3A_135 : i32
        %eq3A_137 = arith.constant 39 : i32
        %eq3A_138 = arith.cmpi eq, %scan3A_127, %eq3A_137 : i32
        %add3A_139 = arith.addi %scan3A_134, %mul3A_6 : i32
        %sub3A_140 = arith.constant 1 : i32
        %sub3A_141 = arith.subi %scan3A_134, %sub3A_140 : i32
        %select_n3A_142 = arith.constant true
        %select_n3A_143 = arith.select %select_n3A_142, %sub3A_141, %scan3A_134 : i32
        %eq3A_144 = arith.constant -1 : i32
        %eq3A_145 = arith.cmpi eq, %select_n3A_143, %eq3A_144 : i32
        %select_n3A_146 = arith.constant 39 : i32
        %select_n3A_147 = arith.select %eq3A_145, %select_n3A_146, %select_n3A_143 : i32
        %add3A_148 = arith.addi %select_n3A_147, %mul3A_6 : i32
        %add3A_149 = arith.constant 1 : i32
        %add3A_150 = arith.addi %scan3A_134, %add3A_149 : i32
        %select_n3A_151 = arith.constant true
        %select_n3A_152 = arith.select %select_n3A_151, %add3A_150, %scan3A_134 : i32
        %eq3A_153 = arith.constant 40 : i32
        %eq3A_154 = arith.cmpi eq, %select_n3A_152, %eq3A_153 : i32
        %select_n3A_155 = arith.constant 0 : i32
        %select_n3A_156 = arith.select %eq3A_154, %select_n3A_155, %select_n3A_152 : i32
        %add3A_157 = arith.addi %select_n3A_156, %mul3A_6 : i32
        %add3A_158 = arith.constant 1 : i32
        %add3A_159 = arith.addi %select_n3A_156, %add3A_158 : i32
        %select_n3A_160 = arith.constant true
        %select_n3A_161 = arith.select %select_n3A_160, %add3A_159, %select_n3A_156 : i32
        %eq3A_162 = arith.constant 40 : i32
        %eq3A_163 = arith.cmpi eq, %select_n3A_161, %eq3A_162 : i32
        %select_n3A_164 = arith.constant 0 : i32
        %select_n3A_165 = arith.select %eq3A_163, %select_n3A_164, %select_n3A_161 : i32
        %add3A_166 = arith.addi %select_n3A_165, %mul3A_6 : i32
        %ne3A = arith.cmpi ne, %add3A_139, %add3A_157 : i32
        %or3A = arith.constant false
        %or3A_167 = arith.ori %or3A, %ne3A : i1
        %ge3A = arith.constant 39 : i32
        %ge3A_168 = arith.cmpi sge, %scan3A_127, %ge3A : i32
        %not3A = arith.constant true
        %not3A_169 = arith.xori %ge3A_168, %not3A : i1
        %and3A = arith.andi %or3A_167, %not3A_169 : i1
        %convert_element_type3A = arith.extui %and3A : i1 to i32
        %cond3A = arith.constant 0 : i32
        %cond3A_170 = arith.cmpi ne, %convert_element_type3A, %cond3A : i32
        scf.if %cond3A_170 {
          "tpu.trace_start"() <{level = 10 : i32, message = "ep_copy_in"}> : () -> ()
          %rem3A_286 = arith.constant 2 : i32
          %rem3A_287 = arith.remui %scan3A_128, %rem3A_286 : i32
          %mul3A_288 = arith.constant 1664 : i32
          %mul3A_289 = arith.muli %mul3A_288, %add3A_157 : i32
          %dma_start3A_290 = arith.constant 0 : i32
          %dma_start3A_291 = arith.constant 0 : i32
          %dma_start3A_292 = tpu.memref_slice %run_scoped3A[%rem3A_287, %dma_start3A_290, %dma_start3A_291] : memref<2x1x1664xi32, #tpu.memory_space<vmem>> -> memref<1x1x1664xi32, #tpu.memory_space<vmem>>
          %dma_start3A_293 = tpu.memref_squeeze %dma_start3A_292 : memref<1x1x1664xi32, #tpu.memory_space<vmem>> -> memref<1x1664xi32, #tpu.memory_space<vmem>>
          %dma_start3A_294 = arith.constant 0 : i32
          %dma_start3A_295 = tpu.memref_slice %arg2[%dma_start3A_294, %mul3A_289] : memref<1x2129920xi32, #tpu.memory_space<hbm>> -> memref<1x1664xi32, #tpu.memory_space<hbm>>
          %dma_start3A_296 = tpu.memref_slice %run_scoped3A_7[%rem3A_287] : memref<2x!tpu.dma_semaphore, #tpu.memory_space<semaphore_mem>> -> memref<1x!tpu.dma_semaphore, #tpu.memory_space<semaphore_mem>>
          %dma_start3A_297 = tpu.memref_squeeze %dma_start3A_296 : memref<1x!tpu.dma_semaphore, #tpu.memory_space<semaphore_mem>> -> memref<!tpu.dma_semaphore, #tpu.memory_space<semaphore_mem>>
          %dma_start3A_298 = arith.constant 0 : i32
          %dma_start3A_299 = arith.constant 0 : i32
          %dma_start3A_300 = tpu.memref_slice %run_scoped3A[%rem3A_287, %dma_start3A_298, %dma_start3A_299] : memref<2x1x1664xi32, #tpu.memory_space<vmem>> -> memref<1x1x1664xi32, #tpu.memory_space<vmem>>
          %dma_start3A_301 = tpu.memref_squeeze %dma_start3A_300 : memref<1x1x1664xi32, #tpu.memory_space<vmem>> -> memref<1x1664xi32, #tpu.memory_space<vmem>>
          %dma_start3A_302 = arith.constant 0 : i32
          %dma_start3A_303 = tpu.memref_slice %arg2[%dma_start3A_302, %mul3A_289] : memref<1x2129920xi32, #tpu.memory_space<hbm>> -> memref<1x1664xi32, #tpu.memory_space<hbm>>
          tpu.enqueue_dma source(%dma_start3A_303 : memref<1x1664xi32, #tpu.memory_space<hbm>>) target(%dma_start3A_301 : memref<1x1664xi32, #tpu.memory_space<vmem>>) target_semaphore(%dma_start3A_297 : memref<!tpu.dma_semaphore, #tpu.memory_space<semaphore_mem>>)
          "tpu.trace_stop"() : () -> ()
        } else {
        }
        %and3A_171 = arith.constant true
        %and3A_172 = arith.andi %and3A, %and3A_171 : i1
        %add3A_173 = arith.constant 1 : i32
        %add3A_174 = arith.addi %scan3A_128, %add3A_173 : i32
        %select_n3A_175 = arith.select %and3A_172, %add3A_174, %scan3A_128 : i32
        %ne3A_176 = arith.cmpi ne, %add3A_139, %add3A_157 : i32
        %or3A_177 = arith.constant false
        %or3A_178 = arith.ori %or3A_177, %ne3A_176 : i1
        %or3A_179 = arith.constant false
        %or3A_180 = arith.ori %or3A_178, %or3A_179 : i1
        %ge3A_181 = arith.constant 39 : i32
        %ge3A_182 = arith.cmpi sge, %scan3A_127, %ge3A_181 : i32
        %not3A_183 = arith.constant true
        %not3A_184 = arith.xori %ge3A_182, %not3A_183 : i1
        %and3A_185 = arith.andi %or3A_180, %not3A_184 : i1
        %ne3A_186 = arith.cmpi ne, %add3A_139, %add3A_148 : i32
        %or3A_187 = arith.constant false
        %or3A_188 = arith.ori %or3A_187, %ne3A_186 : i1
        %or3A_189 = arith.ori %or3A_188, %eq3A_136 : i1
        %convert_element_type3A_190 = arith.extui %or3A_189 : i1 to i32
        %cond3A_191 = arith.constant 0 : i32
        %cond3A_192 = arith.cmpi ne, %convert_element_type3A_190, %cond3A_191 : i32
        scf.if %cond3A_192 {
          "tpu.trace_start"() <{level = 10 : i32, message = "ep_wait_in"}> : () -> ()
          %mul3A_286 = arith.constant 1664 : i32
          %mul3A_287 = arith.muli %mul3A_286, %add3A_139 : i32
          %rem3A_288 = arith.constant 2 : i32
          %rem3A_289 = arith.remui %scan3A_129, %rem3A_288 : i32
          %dma_wait3A_290 = arith.constant 0 : i32
          %dma_wait3A_291 = arith.constant 0 : i32
          %dma_wait3A_292 = tpu.memref_slice %run_scoped3A[%rem3A_289, %dma_wait3A_290, %dma_wait3A_291] : memref<2x1x1664xi32, #tpu.memory_space<vmem>> -> memref<1x1x1664xi32, #tpu.memory_space<vmem>>
          %dma_wait3A_293 = tpu.memref_squeeze %dma_wait3A_292 : memref<1x1x1664xi32, #tpu.memory_space<vmem>> -> memref<1x1664xi32, #tpu.memory_space<vmem>>
          %dma_wait3A_294 = arith.constant 0 : i32
          %dma_wait3A_295 = tpu.memref_slice %arg2[%dma_wait3A_294, %mul3A_287] : memref<1x2129920xi32, #tpu.memory_space<hbm>> -> memref<1x1664xi32, #tpu.memory_space<hbm>>
          %dma_wait3A_296 = tpu.memref_slice %run_scoped3A_7[%rem3A_289] : memref<2x!tpu.dma_semaphore, #tpu.memory_space<semaphore_mem>> -> memref<1x!tpu.dma_semaphore, #tpu.memory_space<semaphore_mem>>
          %dma_wait3A_297 = tpu.memref_squeeze %dma_wait3A_296 : memref<1x!tpu.dma_semaphore, #tpu.memory_space<semaphore_mem>> -> memref<!tpu.dma_semaphore, #tpu.memory_space<semaphore_mem>>
          %dma_wait3A_298 = arith.constant 0 : i32
          %dma_wait3A_299 = arith.constant 0 : i32
          %dma_wait3A_300 = tpu.memref_slice %run_scoped3A[%rem3A_289, %dma_wait3A_298, %dma_wait3A_299] : memref<2x1x1664xi32, #tpu.memory_space<vmem>> -> memref<1x1x1664xi32, #tpu.memory_space<vmem>>
          %dma_wait3A_301 = tpu.memref_squeeze %dma_wait3A_300 : memref<1x1x1664xi32, #tpu.memory_space<vmem>> -> memref<1x1664xi32, #tpu.memory_space<vmem>>
          %dma_wait3A_302 = arith.constant 0 : i32
          %dma_wait3A_303 = tpu.memref_slice %arg2[%dma_wait3A_302, %mul3A_287] : memref<1x2129920xi32, #tpu.memory_space<hbm>> -> memref<1x1664xi32, #tpu.memory_space<hbm>>
          tpu.wait_dma2 semaphore(%dma_wait3A_297 : memref<!tpu.dma_semaphore, #tpu.memory_space<semaphore_mem>>) src(%dma_wait3A_303 : memref<1x1664xi32, #tpu.memory_space<hbm>>) dst(%dma_wait3A_301 : memref<1x1664xi32, #tpu.memory_space<vmem>>)
          "tpu.trace_stop"() : () -> ()
        } else {
        }
        %ne3A_193 = arith.cmpi ne, %add3A_139, %add3A_148 : i32
        %or3A_194 = arith.constant false
        %or3A_195 = arith.ori %or3A_194, %ne3A_193 : i1
        %or3A_196 = arith.constant false
        %or3A_197 = arith.ori %or3A_195, %or3A_196 : i1
        %or3A_198 = arith.ori %or3A_197, %eq3A_136 : i1
        %convert_element_type3A_199 = arith.extui %or3A_198 : i1 to i32
        %cond3A_200 = arith.constant 0 : i32
        %cond3A_201 = arith.cmpi ne, %convert_element_type3A_199, %cond3A_200 : i32
        scf.if %cond3A_201 {
        } else {
        }
        %rem3A_202 = arith.constant 2 : i32
        %rem3A_203 = arith.remui %scan3A_129, %rem3A_202 : i32
        %rem3A_204 = arith.constant 2 : i32
        %rem3A_205 = arith.remui %scan3A_132, %rem3A_204 : i32
        "tpu.trace_start"() <{level = 10 : i32, message = "ep_run_kernel"}> : () -> ()
        %scan3A_206 = arith.constant 0 : i32
        %scan3A_207 = arith.constant 104 : i32
        %scan3A_208 = arith.addi %scan3A_206, %scan3A_207 : i32
        %scan3A_209 = arith.constant 1 : i32
        scf.for %scan3A_286 = %scan3A_206 to %scan3A_208 step %scan3A_209  : i32 {
          %mul3A_287 = arith.constant 16 : i32
          %mul3A_288 = arith.muli %scan3A_286, %mul3A_287 : i32
          %add3A_289 = arith.constant 0 : i32
          %add3A_290 = arith.addi %add3A_289, %mul3A_288 : i32
          %get3A = arith.constant 0 : i32
          %get3A_291 = arith.index_cast %get3A : i32 to index
          %get3A_292 = arith.index_cast %add3A_290 : i32 to index
          %get3A_293 = tpu.vector_load %run_scoped3A_9[%get3A_291, %get3A_292] {strides = array<i32>} : memref<1x1664xi32, #tpu.memory_space<vmem>>, vector<16xi32>,
          %gather3A = arith.constant 0 : i32
          %gather3A_294 = arith.constant 0 : i32
          %gather3A_295 = arith.constant 0 : i32
          %gather3A_296 = tpu.memref_slice %run_scoped3A[%rem3A_203, %gather3A_294, %gather3A_295] : memref<2x1x1664xi32, #tpu.memory_space<vmem>> -> memref<1x1x1664xi32, #tpu.memory_space<vmem>>
          %gather3A_297 = tpu.memref_squeeze %gather3A_296 : memref<1x1x1664xi32, #tpu.memory_space<vmem>> -> memref<1x1664xi32, #tpu.memory_space<vmem>>
          %gather3A_298 = arith.constant 0 : i32
          %gather3A_299 = tpu.memref_slice %gather3A_297[%gather3A, %gather3A_298] : memref<1x1664xi32, #tpu.memory_space<vmem>> -> memref<1x1664xi32, #tpu.memory_space<vmem>>
          %gather3A_300 = tpu.memref_squeeze %gather3A_299 : memref<1x1664xi32, #tpu.memory_space<vmem>> -> memref<1664xi32, #tpu.memory_space<vmem>>
          %gather3A_301 = tpu.vector_load_idx %gather3A_300[%get3A_293] : memref<1664xi32, #tpu.memory_space<vmem>>[vector<16xi32>], vector<16xi32>,
          %get3A_302 = arith.constant 0 : i32
          %get3A_303 = arith.index_cast %get3A_302 : i32 to index
          %get3A_304 = arith.index_cast %add3A_290 : i32 to index
          %get3A_305 = tpu.vector_load %run_scoped3A_8[%get3A_303, %get3A_304] {strides = array<i32>} : memref<1x1664xi32, #tpu.memory_space<vmem>>, vector<16xi32>,
          %add3A_306 = arith.addi %gather3A_301, %get3A_305 : vector<16xi32>
          %swap3A = arith.index_cast %add3A_290 : i32 to index
          %swap3A_307 = tpu.vector_load %arg7[%swap3A] {strides = array<i32>} : memref<1664xi32, #tpu.memory_space<vmem>>, vector<16xi32>,
          tpu.vector_store %arg7[%swap3A], %add3A_306 {strides = array<i32>} : memref<1664xi32, #tpu.memory_space<vmem>>, vector<16xi32>,
        }
        %scan3A_210 = arith.constant 104 : i32
        "tpu.region"() ({
          %run_scoped3A_286 = tpu.sem_alloc : memref<!tpu.dma_semaphore, #tpu.memory_space<semaphore_mem>>
          %dma_start3A_287 = arith.constant 0 : i32
          %dma_start3A_288 = arith.constant 0 : i32
          %dma_start3A_289 = tpu.memref_slice %run_scoped3A_10[%rem3A_205, %dma_start3A_287, %dma_start3A_288] : memref<2x1664x32xf32, #tpu.memory_space<vmem>> -> memref<1x1664x32xf32, #tpu.memory_space<vmem>>
          %dma_start3A_290 = tpu.memref_squeeze %dma_start3A_289 : memref<1x1664x32xf32, #tpu.memory_space<vmem>> -> memref<1664x32xf32, #tpu.memory_space<vmem>>
          %dma_start3A_291 = arith.constant 0 : i32
          %dma_start3A_292 = arith.constant 0 : i32
          %dma_start3A_293 = tpu.memref_slice %arg5[%dma_start3A_291, %dma_start3A_292] : memref<2600000x32xf32, #tpu.memory_space<hbm>> -> memref<2600000x32xf32, #tpu.memory_space<hbm>>
          tpu.enqueue_indirect_dma source(%dma_start3A_293 : memref<2600000x32xf32, #tpu.memory_space<hbm>>) target(%dma_start3A_290 : memref<1664x32xf32, #tpu.memory_space<vmem>>) offsets(%arg7 : memref<1664xi32, #tpu.memory_space<vmem>>) semaphore(%run_scoped3A_286 : memref<!tpu.dma_semaphore, #tpu.memory_space<semaphore_mem>>)
          %dma_wait3A_294 = arith.constant 0 : i32
          %dma_wait3A_295 = arith.constant 0 : i32
          %dma_wait3A_296 = tpu.memref_slice %run_scoped3A_10[%rem3A_205, %dma_wait3A_294, %dma_wait3A_295] : memref<2x1664x32xf32, #tpu.memory_space<vmem>> -> memref<1x1664x32xf32, #tpu.memory_space<vmem>>
          %dma_wait3A_297 = tpu.memref_squeeze %dma_wait3A_296 : memref<1x1664x32xf32, #tpu.memory_space<vmem>> -> memref<1664x32xf32, #tpu.memory_space<vmem>>
          %dma_wait3A_298 = arith.constant 0 : i32
          %dma_wait3A_299 = arith.constant 0 : i32
          %dma_wait3A_300 = tpu.memref_slice %arg5[%dma_wait3A_298, %dma_wait3A_299] : memref<2600000x32xf32, #tpu.memory_space<hbm>> -> memref<2600000x32xf32, #tpu.memory_space<hbm>>
          tpu.wait_indirect_dma semaphore(%run_scoped3A_286 : memref<!tpu.dma_semaphore, #tpu.memory_space<semaphore_mem>>) src(%dma_wait3A_300 : memref<2600000x32xf32, #tpu.memory_space<hbm>>) dst(%dma_wait3A_297 : memref<1664x32xf32, #tpu.memory_space<vmem>>)
          tpu.yield
        }) : () -> ()
        "tpu.trace_stop"() : () -> ()
        %ne3A_211 = arith.cmpi ne, %add3A_139, %add3A_157 : i32
        %or3A_212 = arith.constant false
        %or3A_213 = arith.ori %or3A_212, %ne3A_211 : i1
        %or3A_214 = arith.ori %or3A_213, %eq3A_138 : i1
        %convert_element_type3A_215 = arith.extui %or3A_214 : i1 to i32
        %cond3A_216 = arith.constant 0 : i32
        %cond3A_217 = arith.cmpi ne, %convert_element_type3A_215, %cond3A_216 : i32
        scf.if %cond3A_217 {
        } else {
        }
        %and3A_218 = arith.constant false
        %and3A_219 = arith.andi %or3A_214, %and3A_218 : i1
        %ne3A_220 = arith.cmpi ne, %add3A_139, %add3A_157 : i32
        %or3A_221 = arith.constant false
        %or3A_222 = arith.ori %or3A_221, %ne3A_220 : i1
        %or3A_223 = arith.constant false
        %or3A_224 = arith.ori %or3A_222, %or3A_223 : i1
        %or3A_225 = arith.ori %or3A_224, %eq3A_138 : i1
        %convert_element_type3A_226 = arith.extui %or3A_225 : i1 to i32
        %cond3A_227 = arith.constant 0 : i32
        %cond3A_228 = arith.cmpi ne, %convert_element_type3A_226, %cond3A_227 : i32
        scf.if %cond3A_228 {
          "tpu.trace_start"() <{level = 10 : i32, message = "ep_copy_out"}> : () -> ()
          %rem3A_286 = arith.constant 2 : i32
          %rem3A_287 = arith.remui %scan3A_132, %rem3A_286 : i32
          %mul3A_288 = arith.constant 1664 : i32
          %mul3A_289 = arith.muli %mul3A_288, %add3A_139 : i32
          %dma_start3A_290 = arith.constant 0 : i32
          %dma_start3A_291 = arith.constant 0 : i32
          %dma_start3A_292 = tpu.memref_slice %run_scoped3A_10[%rem3A_287, %dma_start3A_290, %dma_start3A_291] : memref<2x1664x32xf32, #tpu.memory_space<vmem>> -> memref<1x1664x32xf32, #tpu.memory_space<vmem>>
          %dma_start3A_293 = tpu.memref_squeeze %dma_start3A_292 : memref<1x1664x32xf32, #tpu.memory_space<vmem>> -> memref<1664x32xf32, #tpu.memory_space<vmem>>
          %dma_start3A_294 = arith.constant 0 : i32
          %dma_start3A_295 = tpu.memref_slice %arg6[%mul3A_289, %dma_start3A_294] : memref<2129920x32xf32, #tpu.memory_space<hbm>> -> memref<1664x32xf32, #tpu.memory_space<hbm>>
          %dma_start3A_296 = tpu.memref_slice %run_scoped3A_11[%rem3A_287] : memref<2x!tpu.dma_semaphore, #tpu.memory_space<semaphore_mem>> -> memref<1x!tpu.dma_semaphore, #tpu.memory_space<semaphore_mem>>
          %dma_start3A_297 = tpu.memref_squeeze %dma_start3A_296 : memref<1x!tpu.dma_semaphore, #tpu.memory_space<semaphore_mem>> -> memref<!tpu.dma_semaphore, #tpu.memory_space<semaphore_mem>>
          %dma_start3A_298 = arith.constant 0 : i32
          %dma_start3A_299 = tpu.memref_slice %arg6[%mul3A_289, %dma_start3A_298] : memref<2129920x32xf32, #tpu.memory_space<hbm>> -> memref<1664x32xf32, #tpu.memory_space<hbm>>
          %dma_start3A_300 = arith.constant 0 : i32
          %dma_start3A_301 = arith.constant 0 : i32
          %dma_start3A_302 = tpu.memref_slice %run_scoped3A_10[%rem3A_287, %dma_start3A_300, %dma_start3A_301] : memref<2x1664x32xf32, #tpu.memory_space<vmem>> -> memref<1x1664x32xf32, #tpu.memory_space<vmem>>
          %dma_start3A_303 = tpu.memref_squeeze %dma_start3A_302 : memref<1x1664x32xf32, #tpu.memory_space<vmem>> -> memref<1664x32xf32, #tpu.memory_space<vmem>>
          tpu.enqueue_dma source(%dma_start3A_303 : memref<1664x32xf32, #tpu.memory_space<vmem>>) target(%dma_start3A_299 : memref<1664x32xf32, #tpu.memory_space<hbm>>) target_semaphore(%dma_start3A_297 : memref<!tpu.dma_semaphore, #tpu.memory_space<semaphore_mem>>)
          "tpu.trace_stop"() : () -> ()
        } else {
        }
        %and3A_229 = arith.constant true
        %and3A_230 = arith.andi %or3A_225, %and3A_229 : i1
        %add3A_231 = arith.constant 1 : i32
        %add3A_232 = arith.addi %scan3A_132, %add3A_231 : i32
        %select_n3A_233 = arith.select %and3A_230, %add3A_232, %scan3A_132 : i32
        %ne3A_234 = arith.cmpi ne, %add3A_139, %add3A_148 : i32
        %or3A_235 = arith.constant false
        %or3A_236 = arith.ori %or3A_235, %ne3A_234 : i1
        %not3A_237 = arith.constant true
        %not3A_238 = arith.xori %eq3A_136, %not3A_237 : i1
        %and3A_239 = arith.andi %or3A_236, %not3A_238 : i1
        %convert_element_type3A_240 = arith.extui %and3A_239 : i1 to i32
        %cond3A_241 = arith.constant 0 : i32
        %cond3A_242 = arith.cmpi ne, %convert_element_type3A_240, %cond3A_241 : i32
        scf.if %cond3A_242 {
        } else {
        }
        %and3A_243 = arith.constant false
        %and3A_244 = arith.andi %and3A_239, %and3A_243 : i1
        %ne3A_245 = arith.cmpi ne, %add3A_139, %add3A_148 : i32
        %or3A_246 = arith.constant false
        %or3A_247 = arith.ori %or3A_246, %ne3A_245 : i1
        %or3A_248 = arith.constant false
        %or3A_249 = arith.ori %or3A_247, %or3A_248 : i1
        %not3A_250 = arith.constant true
        %not3A_251 = arith.xori %eq3A_136, %not3A_250 : i1
        %and3A_252 = arith.andi %or3A_249, %not3A_251 : i1
        %convert_element_type3A_253 = arith.extui %and3A_252 : i1 to i32
        %cond3A_254 = arith.constant 0 : i32
        %cond3A_255 = arith.cmpi ne, %convert_element_type3A_253, %cond3A_254 : i32
        scf.if %cond3A_255 {
          "tpu.trace_start"() <{level = 10 : i32, message = "ep_wait_out"}> : () -> ()
          %rem3A_286 = arith.constant 2 : i32
          %rem3A_287 = arith.remui %scan3A_133, %rem3A_286 : i32
          %mul3A_288 = arith.constant 1664 : i32
          %mul3A_289 = arith.muli %mul3A_288, %add3A_148 : i32
          %dma_wait3A_290 = arith.constant 0 : i32
          %dma_wait3A_291 = arith.constant 0 : i32
          %dma_wait3A_292 = tpu.memref_slice %run_scoped3A_10[%rem3A_287, %dma_wait3A_290, %dma_wait3A_291] : memref<2x1664x32xf32, #tpu.memory_space<vmem>> -> memref<1x1664x32xf32, #tpu.memory_space<vmem>>
          %dma_wait3A_293 = tpu.memref_squeeze %dma_wait3A_292 : memref<1x1664x32xf32, #tpu.memory_space<vmem>> -> memref<1664x32xf32, #tpu.memory_space<vmem>>
          %dma_wait3A_294 = arith.constant 0 : i32
          %dma_wait3A_295 = tpu.memref_slice %arg6[%mul3A_289, %dma_wait3A_294] : memref<2129920x32xf32, #tpu.memory_space<hbm>> -> memref<1664x32xf32, #tpu.memory_space<hbm>>
          %dma_wait3A_296 = tpu.memref_slice %run_scoped3A_11[%rem3A_287] : memref<2x!tpu.dma_semaphore, #tpu.memory_space<semaphore_mem>> -> memref<1x!tpu.dma_semaphore, #tpu.memory_space<semaphore_mem>>
          %dma_wait3A_297 = tpu.memref_squeeze %dma_wait3A_296 : memref<1x!tpu.dma_semaphore, #tpu.memory_space<semaphore_mem>> -> memref<!tpu.dma_semaphore, #tpu.memory_space<semaphore_mem>>
          %dma_wait3A_298 = arith.constant 0 : i32
          %dma_wait3A_299 = tpu.memref_slice %arg6[%mul3A_289, %dma_wait3A_298] : memref<2129920x32xf32, #tpu.memory_space<hbm>> -> memref<1664x32xf32, #tpu.memory_space<hbm>>
          %dma_wait3A_300 = arith.constant 0 : i32
          %dma_wait3A_301 = arith.constant 0 : i32
          %dma_wait3A_302 = tpu.memref_slice %run_scoped3A_10[%rem3A_287, %dma_wait3A_300, %dma_wait3A_301] : memref<2x1664x32xf32, #tpu.memory_space<vmem>> -> memref<1x1664x32xf32, #tpu.memory_space<vmem>>
          %dma_wait3A_303 = tpu.memref_squeeze %dma_wait3A_302 : memref<1x1664x32xf32, #tpu.memory_space<vmem>> -> memref<1664x32xf32, #tpu.memory_space<vmem>>
          tpu.wait_dma2 semaphore(%dma_wait3A_297 : memref<!tpu.dma_semaphore, #tpu.memory_space<semaphore_mem>>) src(%dma_wait3A_303 : memref<1664x32xf32, #tpu.memory_space<vmem>>) dst(%dma_wait3A_299 : memref<1664x32xf32, #tpu.memory_space<hbm>>)
          "tpu.trace_stop"() : () -> ()
        } else {
        }
        %and3A_256 = arith.constant true
        %and3A_257 = arith.andi %and3A_252, %and3A_256 : i1
        %add3A_258 = arith.constant 1 : i32
        %add3A_259 = arith.addi %scan3A_133, %add3A_258 : i32
        %select_n3A_260 = arith.select %and3A_257, %add3A_259, %scan3A_133 : i32
        %ne3A_261 = arith.cmpi ne, %add3A_139, %add3A_157 : i32
        %or3A_262 = arith.constant false
        %or3A_263 = arith.ori %or3A_262, %ne3A_261 : i1
        %or3A_264 = arith.ori %or3A_263, %eq3A_138 : i1
        %add3A_265 = arith.constant 1 : i32
        %add3A_266 = arith.addi %scan3A_129, %add3A_265 : i32
        %select_n3A_267 = arith.select %or3A_264, %add3A_266, %scan3A_129 : i32
        %or3A_268 = arith.constant false
        %or3A_269 = arith.ori %or3A_268, %eq3A_138 : i1
        %add3A_270 = arith.constant 1 : i32
        %add3A_271 = arith.addi %scan3A_130, %add3A_270 : i32
        %select_n3A_272 = arith.select %or3A_269, %add3A_271, %scan3A_130 : i32
        %or3A_273 = arith.constant false
        %or3A_274 = arith.ori %or3A_273, %eq3A_138 : i1
        %add3A_275 = arith.constant 1 : i32
        %add3A_276 = arith.addi %scan3A_131, %add3A_275 : i32
        %select_n3A_277 = arith.select %or3A_274, %add3A_276, %scan3A_131 : i32
        %add3A_278 = arith.constant 1 : i32
        %add3A_279 = arith.addi %scan3A_134, %add3A_278 : i32
        %select_n3A_280 = arith.constant true
        %select_n3A_281 = arith.select %select_n3A_280, %add3A_279, %scan3A_134 : i32
        %eq3A_282 = arith.constant 40 : i32
        %eq3A_283 = arith.cmpi eq, %select_n3A_281, %eq3A_282 : i32
        %select_n3A_284 = arith.constant 0 : i32
        %select_n3A_285 = arith.select %eq3A_283, %select_n3A_284, %select_n3A_281 : i32
        scf.yield %select_n3A_175, %select_n3A_267, %select_n3A_272, %select_n3A_277, %select_n3A_233, %select_n3A_260, %select_n3A_285 : i32, i32, i32, i32, i32, i32, i32
      }
      %scan3A_74 = arith.constant 40 : i32
      %sub3A = arith.constant 1 : i32
      %sub3A_75 = arith.subi %scan3A_73#6, %sub3A : i32
      %select_n3A_76 = arith.constant true
      %select_n3A_77 = arith.select %select_n3A_76, %sub3A_75, %scan3A_73#6 : i32
      %eq3A_78 = arith.constant -1 : i32
      %eq3A_79 = arith.cmpi eq, %select_n3A_77, %eq3A_78 : i32
      %select_n3A_80 = arith.constant 39 : i32
      %select_n3A_81 = arith.select %eq3A_79, %select_n3A_80, %select_n3A_77 : i32
      %add3A_82 = arith.addi %select_n3A_81, %mul3A_6 : i32
      %sub3A_83 = arith.constant 1 : i32
      %sub3A_84 = arith.subi %select_n3A_81, %sub3A_83 : i32
      %select_n3A_85 = arith.constant true
      %select_n3A_86 = arith.select %select_n3A_85, %sub3A_84, %select_n3A_81 : i32
      %eq3A_87 = arith.constant -1 : i32
      %eq3A_88 = arith.cmpi eq, %select_n3A_86, %eq3A_87 : i32
      %select_n3A_89 = arith.constant 39 : i32
      %select_n3A_90 = arith.select %eq3A_88, %select_n3A_89, %select_n3A_86 : i32
      %add3A_91 = arith.addi %select_n3A_90, %mul3A_6 : i32
      %add3A_92 = arith.constant 1 : i32
      %add3A_93 = arith.addi %select_n3A_81, %add3A_92 : i32
      %select_n3A_94 = arith.constant true
      %select_n3A_95 = arith.select %select_n3A_94, %add3A_93, %select_n3A_81 : i32
      %eq3A_96 = arith.constant 40 : i32
      %eq3A_97 = arith.cmpi eq, %select_n3A_95, %eq3A_96 : i32
      %select_n3A_98 = arith.constant 0 : i32
      %select_n3A_99 = arith.select %eq3A_97, %select_n3A_98, %select_n3A_95 : i32
      %add3A_100 = arith.addi %select_n3A_99, %mul3A_6 : i32
      %add3A_101 = arith.constant 1 : i32
      %add3A_102 = arith.addi %select_n3A_99, %add3A_101 : i32
      %select_n3A_103 = arith.constant true
      %select_n3A_104 = arith.select %select_n3A_103, %add3A_102, %select_n3A_99 : i32
      %eq3A_105 = arith.constant 40 : i32
      %eq3A_106 = arith.cmpi eq, %select_n3A_104, %eq3A_105 : i32
      %select_n3A_107 = arith.constant 0 : i32
      %select_n3A_108 = arith.select %eq3A_106, %select_n3A_107, %select_n3A_104 : i32
      %add3A_109 = arith.addi %select_n3A_108, %mul3A_6 : i32
      "tpu.trace_start"() <{level = 10 : i32, message = "ep_finalize"}> : () -> ()
      %rem3A_110 = arith.constant 2 : i32
      %rem3A_111 = arith.remui %scan3A_73#5, %rem3A_110 : i32
      %mul3A_112 = arith.constant 1664 : i32
      %mul3A_113 = arith.muli %mul3A_112, %add3A_82 : i32
      %dma_wait3A = arith.constant 0 : i32
      %dma_wait3A_114 = arith.constant 0 : i32
      %dma_wait3A_115 = tpu.memref_slice %run_scoped3A_10[%rem3A_111, %dma_wait3A, %dma_wait3A_114] : memref<2x1664x32xf32, #tpu.memory_space<vmem>> -> memref<1x1664x32xf32, #tpu.memory_space<vmem>>
      %dma_wait3A_116 = tpu.memref_squeeze %dma_wait3A_115 : memref<1x1664x32xf32, #tpu.memory_space<vmem>> -> memref<1664x32xf32, #tpu.memory_space<vmem>>
      %dma_wait3A_117 = arith.constant 0 : i32
      %dma_wait3A_118 = tpu.memref_slice %arg6[%mul3A_113, %dma_wait3A_117] : memref<2129920x32xf32, #tpu.memory_space<hbm>> -> memref<1664x32xf32, #tpu.memory_space<hbm>>
      %dma_wait3A_119 = tpu.memref_slice %run_scoped3A_11[%rem3A_111] : memref<2x!tpu.dma_semaphore, #tpu.memory_space<semaphore_mem>> -> memref<1x!tpu.dma_semaphore, #tpu.memory_space<semaphore_mem>>
      %dma_wait3A_120 = tpu.memref_squeeze %dma_wait3A_119 : memref<1x!tpu.dma_semaphore, #tpu.memory_space<semaphore_mem>> -> memref<!tpu.dma_semaphore, #tpu.memory_space<semaphore_mem>>
      %dma_wait3A_121 = arith.constant 0 : i32
      %dma_wait3A_122 = tpu.memref_slice %arg6[%mul3A_113, %dma_wait3A_121] : memref<2129920x32xf32, #tpu.memory_space<hbm>> -> memref<1664x32xf32, #tpu.memory_space<hbm>>
      %dma_wait3A_123 = arith.constant 0 : i32
      %dma_wait3A_124 = arith.constant 0 : i32
      %dma_wait3A_125 = tpu.memref_slice %run_scoped3A_10[%rem3A_111, %dma_wait3A_123, %dma_wait3A_124] : memref<2x1664x32xf32, #tpu.memory_space<vmem>> -> memref<1x1664x32xf32, #tpu.memory_space<vmem>>
      %dma_wait3A_126 = tpu.memref_squeeze %dma_wait3A_125 : memref<1x1664x32xf32, #tpu.memory_space<vmem>> -> memref<1664x32xf32, #tpu.memory_space<vmem>>
      tpu.wait_dma2 semaphore(%dma_wait3A_120 : memref<!tpu.dma_semaphore, #tpu.memory_space<semaphore_mem>>) src(%dma_wait3A_126 : memref<1664x32xf32, #tpu.memory_space<vmem>>) dst(%dma_wait3A_122 : memref<1664x32xf32, #tpu.memory_space<hbm>>)
      "tpu.trace_stop"() : () -> ()
      tpu.yield
    }) : () -> ()
    return
  }
}

module attributes {stable_mosaic.version = 14 : i64} {
  func.func @body(%arg0: i32, %arg1: memref<6656x128xf32, #tpu.memory_space<vmem>>, %arg2: memref<1664x256xf32, #tpu.memory_space<vmem>>, %arg3: memref<1x256xf32, #tpu.memory_space<vmem>>, %arg4: memref<512x256xf32, #tpu.memory_space<vmem>>) attributes {dimension_semantics = [#tpu.dimension_semantics<arbitrary>], iteration_bounds = array<i64: 80>, scalar_prefetch = 0 : i64, scratch_operands = 0 : i64, tpu.core_type = #tpu.core_type<tc>, window_params = [{transform_indices = @transform_0, window_bounds = array<i64: 6656, 128>}, {pipeline_mode = #tpu.pipeline_mode<synchronous>, transform_indices = @transform_1, window_bounds = array<i64: 1664, 256>}, {pipeline_mode = #tpu.pipeline_mode<synchronous>, transform_indices = @transform_2, window_bounds = array<i64: 1, 256>}, {transform_indices = @transform_3, window_bounds = array<i64: 512, 256>}]} {
    %get3A = arith.constant 0 : index
    %get3A_0 = arith.constant 0 : index
    %get3A_1 = vector.load %arg1[%get3A, %get3A_0] : memref<6656x128xf32, #tpu.memory_space<vmem>>, vector<6656x128xf32>
    %reshape3A = vector.shape_cast %get3A_1 : vector<6656x128xf32> to vector<64x13x8x128xf32>
    %get3A_2 = arith.constant 0 : index
    %get3A_3 = arith.constant 0 : index
    %get3A_4 = vector.load %arg3[%get3A_2, %get3A_3] : memref<1x256xf32, #tpu.memory_space<vmem>>, vector<1x256xf32>
    %broadcast_in_dim3A = vector.shape_cast %get3A_4 : vector<1x256xf32> to vector<1x256xf32>
    %broadcast_in_dim3A_5 = vector.broadcast %broadcast_in_dim3A : vector<1x256xf32> to vector<512x256xf32>
    %slice3A = vector.extract_strided_slice %reshape3A {offsets = [0, 0, 0, 0], sizes = [64, 1, 8, 128], strides = [1, 1, 1, 1]} : vector<64x13x8x128xf32> to vector<64x1x8x128xf32>
    %squeeze3A = vector.shape_cast %slice3A : vector<64x1x8x128xf32> to vector<64x8x128xf32>
    %reshape3A_6 = vector.shape_cast %squeeze3A : vector<64x8x128xf32> to vector<512x128xf32>
    %get3A_7 = arith.constant 0 : index
    %get3A_8 = arith.constant 0 : index
    %get3A_9 = vector.load %arg2[%get3A_7, %get3A_8] : memref<1664x256xf32, #tpu.memory_space<vmem>>, vector<128x256xf32>
    %dot_general3A = arith.constant dense<0.000000e+00> : vector<512x256xf32>
    %dot_general3A_10 = tpu.matmul %reshape3A_6, %get3A_9, %dot_general3A {dimension_numbers = #tpu.dot_dimension_numbers<[1], [0], [0], [1], [0, 0, 1, 1], [], []>, transpose_lhs_hint = false} : vector<512x128xf32>, vector<128x256xf32>, vector<512x256xf32> -> vector<512x256xf32>
    %add3A = arith.addf %broadcast_in_dim3A_5, %dot_general3A_10 : vector<512x256xf32>
    %slice3A_11 = vector.extract_strided_slice %reshape3A {offsets = [0, 1, 0, 0], sizes = [64, 1, 8, 128], strides = [1, 1, 1, 1]} : vector<64x13x8x128xf32> to vector<64x1x8x128xf32>
    %squeeze3A_12 = vector.shape_cast %slice3A_11 : vector<64x1x8x128xf32> to vector<64x8x128xf32>
    %reshape3A_13 = vector.shape_cast %squeeze3A_12 : vector<64x8x128xf32> to vector<512x128xf32>
    %get3A_14 = arith.constant 128 : index
    %get3A_15 = arith.constant 0 : index
    %get3A_16 = vector.load %arg2[%get3A_14, %get3A_15] : memref<1664x256xf32, #tpu.memory_space<vmem>>, vector<128x256xf32>
    %dot_general3A_17 = arith.constant dense<0.000000e+00> : vector<512x256xf32>
    %dot_general3A_18 = tpu.matmul %reshape3A_13, %get3A_16, %dot_general3A_17 {dimension_numbers = #tpu.dot_dimension_numbers<[1], [0], [0], [1], [0, 0, 1, 1], [], []>, transpose_lhs_hint = false} : vector<512x128xf32>, vector<128x256xf32>, vector<512x256xf32> -> vector<512x256xf32>
    %add3A_19 = arith.addf %add3A, %dot_general3A_18 : vector<512x256xf32>
    %slice3A_20 = vector.extract_strided_slice %reshape3A {offsets = [0, 2, 0, 0], sizes = [64, 1, 8, 128], strides = [1, 1, 1, 1]} : vector<64x13x8x128xf32> to vector<64x1x8x128xf32>
    %squeeze3A_21 = vector.shape_cast %slice3A_20 : vector<64x1x8x128xf32> to vector<64x8x128xf32>
    %reshape3A_22 = vector.shape_cast %squeeze3A_21 : vector<64x8x128xf32> to vector<512x128xf32>
    %get3A_23 = arith.constant 256 : index
    %get3A_24 = arith.constant 0 : index
    %get3A_25 = vector.load %arg2[%get3A_23, %get3A_24] : memref<1664x256xf32, #tpu.memory_space<vmem>>, vector<128x256xf32>
    %dot_general3A_26 = arith.constant dense<0.000000e+00> : vector<512x256xf32>
    %dot_general3A_27 = tpu.matmul %reshape3A_22, %get3A_25, %dot_general3A_26 {dimension_numbers = #tpu.dot_dimension_numbers<[1], [0], [0], [1], [0, 0, 1, 1], [], []>, transpose_lhs_hint = false} : vector<512x128xf32>, vector<128x256xf32>, vector<512x256xf32> -> vector<512x256xf32>
    %add3A_28 = arith.addf %add3A_19, %dot_general3A_27 : vector<512x256xf32>
    %slice3A_29 = vector.extract_strided_slice %reshape3A {offsets = [0, 3, 0, 0], sizes = [64, 1, 8, 128], strides = [1, 1, 1, 1]} : vector<64x13x8x128xf32> to vector<64x1x8x128xf32>
    %squeeze3A_30 = vector.shape_cast %slice3A_29 : vector<64x1x8x128xf32> to vector<64x8x128xf32>
    %reshape3A_31 = vector.shape_cast %squeeze3A_30 : vector<64x8x128xf32> to vector<512x128xf32>
    %get3A_32 = arith.constant 384 : index
    %get3A_33 = arith.constant 0 : index
    %get3A_34 = vector.load %arg2[%get3A_32, %get3A_33] : memref<1664x256xf32, #tpu.memory_space<vmem>>, vector<128x256xf32>
    %dot_general3A_35 = arith.constant dense<0.000000e+00> : vector<512x256xf32>
    %dot_general3A_36 = tpu.matmul %reshape3A_31, %get3A_34, %dot_general3A_35 {dimension_numbers = #tpu.dot_dimension_numbers<[1], [0], [0], [1], [0, 0, 1, 1], [], []>, transpose_lhs_hint = false} : vector<512x128xf32>, vector<128x256xf32>, vector<512x256xf32> -> vector<512x256xf32>
    %add3A_37 = arith.addf %add3A_28, %dot_general3A_36 : vector<512x256xf32>
    %slice3A_38 = vector.extract_strided_slice %reshape3A {offsets = [0, 4, 0, 0], sizes = [64, 1, 8, 128], strides = [1, 1, 1, 1]} : vector<64x13x8x128xf32> to vector<64x1x8x128xf32>
    %squeeze3A_39 = vector.shape_cast %slice3A_38 : vector<64x1x8x128xf32> to vector<64x8x128xf32>
    %reshape3A_40 = vector.shape_cast %squeeze3A_39 : vector<64x8x128xf32> to vector<512x128xf32>
    %get3A_41 = arith.constant 512 : index
    %get3A_42 = arith.constant 0 : index
    %get3A_43 = vector.load %arg2[%get3A_41, %get3A_42] : memref<1664x256xf32, #tpu.memory_space<vmem>>, vector<128x256xf32>
    %dot_general3A_44 = arith.constant dense<0.000000e+00> : vector<512x256xf32>
    %dot_general3A_45 = tpu.matmul %reshape3A_40, %get3A_43, %dot_general3A_44 {dimension_numbers = #tpu.dot_dimension_numbers<[1], [0], [0], [1], [0, 0, 1, 1], [], []>, transpose_lhs_hint = false} : vector<512x128xf32>, vector<128x256xf32>, vector<512x256xf32> -> vector<512x256xf32>
    %add3A_46 = arith.addf %add3A_37, %dot_general3A_45 : vector<512x256xf32>
    %slice3A_47 = vector.extract_strided_slice %reshape3A {offsets = [0, 5, 0, 0], sizes = [64, 1, 8, 128], strides = [1, 1, 1, 1]} : vector<64x13x8x128xf32> to vector<64x1x8x128xf32>
    %squeeze3A_48 = vector.shape_cast %slice3A_47 : vector<64x1x8x128xf32> to vector<64x8x128xf32>
    %reshape3A_49 = vector.shape_cast %squeeze3A_48 : vector<64x8x128xf32> to vector<512x128xf32>
    %get3A_50 = arith.constant 640 : index
    %get3A_51 = arith.constant 0 : index
    %get3A_52 = vector.load %arg2[%get3A_50, %get3A_51] : memref<1664x256xf32, #tpu.memory_space<vmem>>, vector<128x256xf32>
    %dot_general3A_53 = arith.constant dense<0.000000e+00> : vector<512x256xf32>
    %dot_general3A_54 = tpu.matmul %reshape3A_49, %get3A_52, %dot_general3A_53 {dimension_numbers = #tpu.dot_dimension_numbers<[1], [0], [0], [1], [0, 0, 1, 1], [], []>, transpose_lhs_hint = false} : vector<512x128xf32>, vector<128x256xf32>, vector<512x256xf32> -> vector<512x256xf32>
    %add3A_55 = arith.addf %add3A_46, %dot_general3A_54 : vector<512x256xf32>
    %slice3A_56 = vector.extract_strided_slice %reshape3A {offsets = [0, 6, 0, 0], sizes = [64, 1, 8, 128], strides = [1, 1, 1, 1]} : vector<64x13x8x128xf32> to vector<64x1x8x128xf32>
    %squeeze3A_57 = vector.shape_cast %slice3A_56 : vector<64x1x8x128xf32> to vector<64x8x128xf32>
    %reshape3A_58 = vector.shape_cast %squeeze3A_57 : vector<64x8x128xf32> to vector<512x128xf32>
    %get3A_59 = arith.constant 768 : index
    %get3A_60 = arith.constant 0 : index
    %get3A_61 = vector.load %arg2[%get3A_59, %get3A_60] : memref<1664x256xf32, #tpu.memory_space<vmem>>, vector<128x256xf32>
    %dot_general3A_62 = arith.constant dense<0.000000e+00> : vector<512x256xf32>
    %dot_general3A_63 = tpu.matmul %reshape3A_58, %get3A_61, %dot_general3A_62 {dimension_numbers = #tpu.dot_dimension_numbers<[1], [0], [0], [1], [0, 0, 1, 1], [], []>, transpose_lhs_hint = false} : vector<512x128xf32>, vector<128x256xf32>, vector<512x256xf32> -> vector<512x256xf32>
    %add3A_64 = arith.addf %add3A_55, %dot_general3A_63 : vector<512x256xf32>
    %slice3A_65 = vector.extract_strided_slice %reshape3A {offsets = [0, 7, 0, 0], sizes = [64, 1, 8, 128], strides = [1, 1, 1, 1]} : vector<64x13x8x128xf32> to vector<64x1x8x128xf32>
    %squeeze3A_66 = vector.shape_cast %slice3A_65 : vector<64x1x8x128xf32> to vector<64x8x128xf32>
    %reshape3A_67 = vector.shape_cast %squeeze3A_66 : vector<64x8x128xf32> to vector<512x128xf32>
    %get3A_68 = arith.constant 896 : index
    %get3A_69 = arith.constant 0 : index
    %get3A_70 = vector.load %arg2[%get3A_68, %get3A_69] : memref<1664x256xf32, #tpu.memory_space<vmem>>, vector<128x256xf32>
    %dot_general3A_71 = arith.constant dense<0.000000e+00> : vector<512x256xf32>
    %dot_general3A_72 = tpu.matmul %reshape3A_67, %get3A_70, %dot_general3A_71 {dimension_numbers = #tpu.dot_dimension_numbers<[1], [0], [0], [1], [0, 0, 1, 1], [], []>, transpose_lhs_hint = false} : vector<512x128xf32>, vector<128x256xf32>, vector<512x256xf32> -> vector<512x256xf32>
    %add3A_73 = arith.addf %add3A_64, %dot_general3A_72 : vector<512x256xf32>
    %slice3A_74 = vector.extract_strided_slice %reshape3A {offsets = [0, 8, 0, 0], sizes = [64, 1, 8, 128], strides = [1, 1, 1, 1]} : vector<64x13x8x128xf32> to vector<64x1x8x128xf32>
    %squeeze3A_75 = vector.shape_cast %slice3A_74 : vector<64x1x8x128xf32> to vector<64x8x128xf32>
    %reshape3A_76 = vector.shape_cast %squeeze3A_75 : vector<64x8x128xf32> to vector<512x128xf32>
    %get3A_77 = arith.constant 1024 : index
    %get3A_78 = arith.constant 0 : index
    %get3A_79 = vector.load %arg2[%get3A_77, %get3A_78] : memref<1664x256xf32, #tpu.memory_space<vmem>>, vector<128x256xf32>
    %dot_general3A_80 = arith.constant dense<0.000000e+00> : vector<512x256xf32>
    %dot_general3A_81 = tpu.matmul %reshape3A_76, %get3A_79, %dot_general3A_80 {dimension_numbers = #tpu.dot_dimension_numbers<[1], [0], [0], [1], [0, 0, 1, 1], [], []>, transpose_lhs_hint = false} : vector<512x128xf32>, vector<128x256xf32>, vector<512x256xf32> -> vector<512x256xf32>
    %add3A_82 = arith.addf %add3A_73, %dot_general3A_81 : vector<512x256xf32>
    %slice3A_83 = vector.extract_strided_slice %reshape3A {offsets = [0, 9, 0, 0], sizes = [64, 1, 8, 128], strides = [1, 1, 1, 1]} : vector<64x13x8x128xf32> to vector<64x1x8x128xf32>
    %squeeze3A_84 = vector.shape_cast %slice3A_83 : vector<64x1x8x128xf32> to vector<64x8x128xf32>
    %reshape3A_85 = vector.shape_cast %squeeze3A_84 : vector<64x8x128xf32> to vector<512x128xf32>
    %get3A_86 = arith.constant 1152 : index
    %get3A_87 = arith.constant 0 : index
    %get3A_88 = vector.load %arg2[%get3A_86, %get3A_87] : memref<1664x256xf32, #tpu.memory_space<vmem>>, vector<128x256xf32>
    %dot_general3A_89 = arith.constant dense<0.000000e+00> : vector<512x256xf32>
    %dot_general3A_90 = tpu.matmul %reshape3A_85, %get3A_88, %dot_general3A_89 {dimension_numbers = #tpu.dot_dimension_numbers<[1], [0], [0], [1], [0, 0, 1, 1], [], []>, transpose_lhs_hint = false} : vector<512x128xf32>, vector<128x256xf32>, vector<512x256xf32> -> vector<512x256xf32>
    %add3A_91 = arith.addf %add3A_82, %dot_general3A_90 : vector<512x256xf32>
    %slice3A_92 = vector.extract_strided_slice %reshape3A {offsets = [0, 10, 0, 0], sizes = [64, 1, 8, 128], strides = [1, 1, 1, 1]} : vector<64x13x8x128xf32> to vector<64x1x8x128xf32>
    %squeeze3A_93 = vector.shape_cast %slice3A_92 : vector<64x1x8x128xf32> to vector<64x8x128xf32>
    %reshape3A_94 = vector.shape_cast %squeeze3A_93 : vector<64x8x128xf32> to vector<512x128xf32>
    %get3A_95 = arith.constant 1280 : index
    %get3A_96 = arith.constant 0 : index
    %get3A_97 = vector.load %arg2[%get3A_95, %get3A_96] : memref<1664x256xf32, #tpu.memory_space<vmem>>, vector<128x256xf32>
    %dot_general3A_98 = arith.constant dense<0.000000e+00> : vector<512x256xf32>
    %dot_general3A_99 = tpu.matmul %reshape3A_94, %get3A_97, %dot_general3A_98 {dimension_numbers = #tpu.dot_dimension_numbers<[1], [0], [0], [1], [0, 0, 1, 1], [], []>, transpose_lhs_hint = false} : vector<512x128xf32>, vector<128x256xf32>, vector<512x256xf32> -> vector<512x256xf32>
    %add3A_100 = arith.addf %add3A_91, %dot_general3A_99 : vector<512x256xf32>
    %slice3A_101 = vector.extract_strided_slice %reshape3A {offsets = [0, 11, 0, 0], sizes = [64, 1, 8, 128], strides = [1, 1, 1, 1]} : vector<64x13x8x128xf32> to vector<64x1x8x128xf32>
    %squeeze3A_102 = vector.shape_cast %slice3A_101 : vector<64x1x8x128xf32> to vector<64x8x128xf32>
    %reshape3A_103 = vector.shape_cast %squeeze3A_102 : vector<64x8x128xf32> to vector<512x128xf32>
    %get3A_104 = arith.constant 1408 : index
    %get3A_105 = arith.constant 0 : index
    %get3A_106 = vector.load %arg2[%get3A_104, %get3A_105] : memref<1664x256xf32, #tpu.memory_space<vmem>>, vector<128x256xf32>
    %dot_general3A_107 = arith.constant dense<0.000000e+00> : vector<512x256xf32>
    %dot_general3A_108 = tpu.matmul %reshape3A_103, %get3A_106, %dot_general3A_107 {dimension_numbers = #tpu.dot_dimension_numbers<[1], [0], [0], [1], [0, 0, 1, 1], [], []>, transpose_lhs_hint = false} : vector<512x128xf32>, vector<128x256xf32>, vector<512x256xf32> -> vector<512x256xf32>
    %add3A_109 = arith.addf %add3A_100, %dot_general3A_108 : vector<512x256xf32>
    %slice3A_110 = vector.extract_strided_slice %reshape3A {offsets = [0, 12, 0, 0], sizes = [64, 1, 8, 128], strides = [1, 1, 1, 1]} : vector<64x13x8x128xf32> to vector<64x1x8x128xf32>
    %squeeze3A_111 = vector.shape_cast %slice3A_110 : vector<64x1x8x128xf32> to vector<64x8x128xf32>
    %reshape3A_112 = vector.shape_cast %squeeze3A_111 : vector<64x8x128xf32> to vector<512x128xf32>
    %get3A_113 = arith.constant 1536 : index
    %get3A_114 = arith.constant 0 : index
    %get3A_115 = vector.load %arg2[%get3A_113, %get3A_114] : memref<1664x256xf32, #tpu.memory_space<vmem>>, vector<128x256xf32>
    %dot_general3A_116 = arith.constant dense<0.000000e+00> : vector<512x256xf32>
    %dot_general3A_117 = tpu.matmul %reshape3A_112, %get3A_115, %dot_general3A_116 {dimension_numbers = #tpu.dot_dimension_numbers<[1], [0], [0], [1], [0, 0, 1, 1], [], []>, transpose_lhs_hint = false} : vector<512x128xf32>, vector<128x256xf32>, vector<512x256xf32> -> vector<512x256xf32>
    %add3A_118 = arith.addf %add3A_109, %dot_general3A_117 : vector<512x256xf32>
    %swap3A = arith.constant 0 : index
    %swap3A_119 = arith.constant 0 : index
    %swap3A_120 = vector.load %arg4[%swap3A, %swap3A_119] : memref<512x256xf32, #tpu.memory_space<vmem>>, vector<512x256xf32>
    tpu.vector_store %arg4[%swap3A, %swap3A_119], %add3A_118 {strides = array<i32>} : memref<512x256xf32, #tpu.memory_space<vmem>>, vector<512x256xf32>,
    return
  }
  func.func @transform_0(%arg0: i32) -> (i32, i32) {
    %c0_i32 = arith.constant 0 : i32
    %c0_i32_0 = arith.constant 0 : i32
    return %arg0, %c0_i32 : i32, i32
  }
  func.func @transform_1(%arg0: i32) -> (i32, i32) {
    %c0_i32 = arith.constant 0 : i32
    %c0_i32_0 = arith.constant 0 : i32
    %c0_i32_1 = arith.constant 0 : i32
    return %c0_i32, %c0_i32_0 : i32, i32
  }
  func.func @transform_2(%arg0: i32) -> (i32, i32) {
    %c0_i32 = arith.constant 0 : i32
    %c0_i32_0 = arith.constant 0 : i32
    %c0_i32_1 = arith.constant 0 : i32
    return %c0_i32, %c0_i32_0 : i32, i32
  }
  func.func @transform_3(%arg0: i32) -> (i32, i32) {
    %c0_i32 = arith.constant 0 : i32
    %c0_i32_0 = arith.constant 0 : i32
    return %arg0, %c0_i32 : i32, i32
  }
}

</mosaic_0001>

<sc_bundles>
// kernel: kernel.4.cloned.1.call-start
scs
__scs_entry_jumppad:
0x0: {  	(pc) =	sbr.rel $0x88, $3  }
0x1: {  	(tag) =	ssettag $0x0;
	lr =	simm.s32 $0x1  }
0x2: {  	[smem:$0x3F9D] =	sst lr;
	_ =	strace $0xD0000000  }
0x3: {  	_ = 	snop  }
0x4: {  	_ = 	snop  }
0x5: {  	_ = 	snop  }
0x6: {  	_ = 	snop  }
0x7: {  	_ = 	snop  }
__scs_overlays_trampoline_lowered:
0x8: {  	[smem:$0x3FAC] =	sst s0  }
0x9: {  	[smem:$0x3FAD] =	sst s1  }
0xa: {  	[smem:$0x3FAE] =	sst s2  }
0xb: {  	[smem:$0x3FAF] =	sst s3  }
0xc: {  	[smem:$0x3FB0] =	sst s4  }
0xd: {  	[smem:$0x3FB1] =	sst s5  }
0xe: {  	[smem:$0x3FB2] =	sst s6  }
0xf: {  	[smem:$0x3FB3] =	sst s7  }
0x10: {  	[smem:$0x3FB4] =	sst s8  }
0x11: {  	[smem:$0x3FB5] =	sst s9;
	s0 =	simm.s32 @!p0 $0x0  }
0x12: {  	s1 =	sld [smem:$0x3F9B];
	s0 =	simm.s32 @p0 $0x1  }
0x13: {  	[smem:$0x3FB6] =	sst s0;
	s0 =	simm.s32 @!p1 $0x0  }
0x14: {  	s2 =	sld [smem:$0x3F9A];
	s0 =	simm.s32 @p1 $0x1  }
0x15: {  	[smem:$0x3FB7] =	sst s0;
	s0 =	simm.s32 @!p2 $0x0  }
0x16: {  	s3 =	sld [smem:$0x3FDB];
	s0 =	simm.s32 @p2 $0x1  }
0x17: {  	s4 =	simm.s32 $0x1BF5;
	[smem:$0x3FB9] =	sst s0  }
0x18: {  	s0 =	sld [smem:$0x3F9C];
	_ =	swait.ge [sflag:s4], $0x0  }
0x19: {  	s7 =	sld [smem:$0x3F9D]  }
0x1a: {  	s8 =	sadd.s32 $0xFFFFE003, lr  }
0x1b: {  	s9 =	sadd.s32 $0xFFFFFEF7, lr;
	s5 =	simm.s32 $0xFFFFFFFF;
	p2 =	slt.u32 s8, $0xFFFFF086  }
0x1c: {  	p1 =	slt.u32 s9, $0xF7A;
	s5 =	simm.s32 @!p2 $0x0  }
0x1d: {  	s5 =	simm.s32 @p1 $0x1;
	p0 =	seq.s32 s7, s2  }
0x1e: {  	s7 =	smul.u32 @!p0 $0xF7A, s2;
	p2 =	seq.s32 @!p0 s5, $0x0  }
0x1f: {  	s9 =	smul.u32 $0xF7A, s1;
	s8 =	simm.s32 @!p0 $0x1BF5;
	p2 =	por !p2, p0  }
0x20: {  	[sflag:s8] =	ssyncset.s32 @!p0 $0xFFFFF086;
	s6 =	sadd.s32 @!p0 s3, s7;
	s7 =	simm.s32 @!p0 $0x108  }
0x21: {  	s3 =	sadd.s32 s3, s9;
	s6 =	sadd.s32 @!p0 $0x88, s6;
	s7 =	simm.s32 @p2 $0x1082  }
0x22: {  	[simem:s7], [sflag:s8] =	dma.local @!p0 [hbm:s6], $0xF7A  }
0x23: {  	s9 =	sor.u32 $0xD0000000, s2;
	s6 =	simm.s32 $0x108;
	_ =	swait.ge @!p0 [sflag:s8], $0x0  }
0x24: {  	s3 =	sadd.s32 $0x88, s3;
	s6 =	simm.s32 @!p1 $0x1082;
	[sflag:s4] =	ssyncset.s32 $0xFFFFF086  }
0x25: {  	[simem:s6], [sflag:s4] =	dma.local [hbm:s3], $0xF7A  }
0x26: {  	[smem:$0x3F9D] =	sst s1;
	(tag) =	ssettag s2;
	_ =	strace s9  }
0x27: {  	s1 =	sld [smem:$0x3FAD]  }
0x28: {  	s2 =	sld [smem:$0x3FAE]  }
0x29: {  	s4 =	sld [smem:$0x3FB0]  }
0x2a: {  	p0 =	seq.s32 s5, $0x0;
	s5 =	sld [smem:$0x3FB1]  }
0x2b: {  	s6 =	sld [smem:$0x3FB2]  }
0x2c: {  	s7 =	sld [smem:$0x3FB3]  }
0x2d: {  	s3 =	simm.s32 $0x108;
	s8 =	sld [smem:$0x3FB4]  }
0x2e: {  	s3 =	simm.s32 @!p0 $0x1082;
	s9 =	sld [smem:$0x3FB5]  }
0x2f: {  	lr =	sadd.s32 s0, s3;
	s0 =	sld [smem:$0x3FAC]  }
0x30: {  	s3 =	sld [smem:$0x3FAF]  }
0x31: {  	[smem:$0x3FB8] =	sst s10  }
0x32: {  	s10 =	sld [smem:$0x3FB6];
	_ =	sdelay $0x3  }
0x33: {  	p0 =	seq.s32 s10, $0x1;
	s10 =	sld [smem:$0x3FB8];
	_ =	sdelay $0x3  }
0x34: {  	[smem:$0x3FB8] =	sst s10  }
0x35: {  	s10 =	sld [smem:$0x3FB7];
	_ =	sdelay $0x3  }
0x36: {  	p1 =	seq.s32 s10, $0x1;
	s10 =	sld [smem:$0x3FB8];
	_ =	sdelay $0x3  }
0x37: {  	[smem:$0x3FB8] =	sst s10  }
0x38: {  	s10 =	sld [smem:$0x3FB9]  }
0x39: {  	_ = 	snop;
	(pc) =	sbr.ind lr, $3  }
0x3a: {  	_ = 	snop  }
0x3b: {  	_ = 	snop  }
0x3c: {  	p2 =	seq.s32 s10, $0x1;
	s10 =	sld [smem:$0x3FB8]  }
0x3d: {  	_ =	shalt  }
0x3e: {  	_ =	shalt  }
0x3f: {  	_ =	shalt  }
0x40: {  	_ =	shalt  }
0x41: {  	_ =	shalt  }
0x42: {  	_ =	shalt  }
0x43: {  	_ =	shalt  }
0x44: {  	_ =	shalt  }
0x45: {  	_ =	shalt  }
0x46: {  	_ =	shalt  }
0x47: {  	_ =	shalt  }
0x48: {  	_ =	shalt  }
0x49: {  	_ =	shalt  }
0x4a: {  	_ =	shalt  }
0x4b: {  	_ =	shalt  }
0x4c: {  	_ =	shalt  }
0x4d: {  	_ =	shalt  }
0x4e: {  	_ =	shalt  }
0x4f: {  	_ =	shalt  }
0x50: {  	_ =	shalt  }
0x51: {  	_ =	shalt  }
0x52: {  	_ =	shalt  }
0x53: {  	_ =	shalt  }
0x54: {  	_ =	shalt  }
0x55: {  	_ =	shalt  }
0x56: {  	_ =	shalt  }
0x57: {  	_ =	shalt  }
0x58: {  	_ =	shalt  }
0x59: {  	_ =	shalt  }
0x5a: {  	_ =	shalt  }
0x5b: {  	_ =	shalt  }
0x5c: {  	_ =	shalt  }
0x5d: {  	_ =	shalt  }
0x5e: {  	_ =	shalt  }
0x5f: {  	_ =	shalt  }
0x60: {  	_ =	shalt  }
0x61: {  	_ =	shalt  }
0x62: {  	_ =	shalt  }
0x63: {  	_ =	shalt  }
0x64: {  	_ =	shalt  }
0x65: {  	_ =	shalt  }
0x66: {  	_ =	shalt  }
0x67: {  	_ =	shalt  }
0x68: {  	_ =	shalt  }
0x69: {  	_ =	shalt  }
0x6a: {  	_ =	shalt  }
0x6b: {  	_ =	shalt  }
0x6c: {  	_ =	shalt  }
0x6d: {  	_ =	shalt  }
0x6e: {  	_ =	shalt  }
0x6f: {  	_ =	shalt  }
0x70: {  	_ =	shalt  }
0x71: {  	_ =	shalt  }
0x72: {  	_ =	shalt  }
0x73: {  	_ =	shalt  }
0x74: {  	_ =	shalt  }
0x75: {  	_ =	shalt  }
0x76: {  	_ =	shalt  }
0x77: {  	_ =	shalt  }
0x78: {  	_ =	shalt  }
0x79: {  	_ =	shalt  }
0x7a: {  	_ =	shalt  }
0x7b: {  	_ =	shalt  }
0x7c: {  	_ =	shalt  }
0x7d: {  	_ =	shalt  }
0x7e: {  	_ =	shalt  }
0x7f: {  	_ =	shalt  }
0x80: {  	_ =	shalt  }
0x81: {  	_ =	shalt  }
0x82: {  	_ =	shalt  }
0x83: {  	_ =	shalt  }
0x84: {  	_ =	shalt  }
0x85: {  	_ =	shalt  }
0x86: {  	_ =	shalt  }
0x87: {  	_ =	shalt  }
.Lfunc_end0:
.L_simem_size_0:
called_computation.1_lowered:
.L_overlay_start_0:
0x88: {  	s2 =	sld [smem:$0x3FD9]  }
0x89: {  	s3 =	sld [smem:$0x3FFE];
	_ =	sdelay $0x1  }
0x8a: {  	s1 =	srdreg.scid  }
0x8b: {  	s0 =	sand.u32 $0x1, s1  }
0x8c: {  	s17 =	sshll.u32 s0, $0xA;
	s2 =	sadd.s32 s3, s2  }
0x8d: {  	s2 =	sadd.s32 s2, s17  }
0x8e: {  	[smem:$0x3FC4] =	sst s2  }
0x8f: {  	_ = 	snop  }
0x90: {  	s2 =	sld [smem:$0x3FD0];
	(tm) =	ssettm $0x1  }
0x91: {  	s18 =	sld [smem:$0x3FFB];
	_ =	sdelay $0x3  }
0x92: {  	_ =	strace s18  }
0x93: {  	s3 =	sld [smem:$0x3FFC];
	_ =	sdelay $0x3  }
0x94: {  	_ =	strace s3  }
0x95: {  	s3 =	sld [smem:$0x3FFD];
	_ =	sdelay $0x3  }
0x96: {  	_ =	strace s3  }
0x97: {  	_ =	strace $0x8FFFFFFF  }
0x98: {  	s19 =	sld [smem:$0x3FDB];
	_ =	sdelay $0x1  }
0x99: {  	s4 =	simm.s32 $_scs_section_size  }
0x9a: {  	s5 =	simm.s32 $_size__tile_overlayer_lowered;
	s6 =	simm.s32 $_tile_overlayer_lowered  }
0x9b: {  	s22 =	simm.s32 $0x1BFF;
	s21 =	sshll.u32 s6, $0x1;
	s3 =	sadd.s32 s4, s19  }
0x9c: {  	s7 =	simm.s32 $0x0;
	s20 =	sshll.u32 s5, $0x1;
	s5 =	sadd.s32 s21, s3  }
0x9d: {  	[timem:s7], [sflag:s22] =	dma.local [hbm:s5], s20  }
0x9e: {  	_ =	swait.ge [sflag:s22], s20  }
0x9f: {  	s4 =	ssub.s32 $0x0, s20;
	[sflag:s22] =	ssyncset.done $0x0  }
0xa0: {  	[sflag:s22] =	ssyncadd.s32 s4;
	_ =	sdelay $0x1  }
0xa1: {  	s23 =	simm.s32 $0x1B8B  }
0xa2: {  	_ =	swait.ge [sflag:s23], $0x1  }
0xa3: {  	[sflag:s23] =	ssyncset.done $0x0  }
0xa4: {  	s25 =	simm.s32 $0x1B8E;
	s24 =	sld [smem:$0x3FFE];
	[sflag:s23] =	ssyncadd.s32 $0xFFFFFFFF  }
0xa5: {  	s26 =	simm.s32 $execute0_lowered;
	[smem:$0x3FD2] =	sst s25  }
0xa6: {  	s5 =	sshll.u32 s26, $0x1;
	_ =	strace $0x80000046;
	[dreg:$0x1] =	wrdreg $0xFFFFFFFF  }
0xa7: {  	s28 =	simm.s32 $_size_execute0_lowered;
	s3 =	sadd.s32 s3, s5;
	[dreg:$0x0] =	wrdreg $0x0  }
0xa8: {  	s5 =	sshll.u32 s28, $0x1;
	[dreg:$0x2] =	wrdreg s3  }
0xa9: {  	[dreg:$0x3] =	wrdreg s5  }
0xaa: {  	[dreg:$0x4] =	wrdreg $0xC0  }
0xab: {  	_ =	task [dreg:s7], $0x5FFFF  }
0xac: {  	[dreg:$0x1] =	wrdreg $0xFFFFFFFF  }
0xad: {  	[dreg:$0x0] =	wrdreg $0x60  }
0xae: {  	[dreg:$0x2] =	wrdreg s2  }
0xaf: {  	[dreg:$0x3] =	wrdreg s24  }
0xb0: {  	[dreg:$0x4] =	wrdreg $0x9  }
0xb1: {  	_ =	task.clear_ibuf [dreg:s7], $0x5FFFF;
	_ =	strace $0x90000046  }
0xb2: {  	s29 =	simm.s32 $0x9;
	_ =	strace $0x8000004F  }
0xb3: {  	_ =	swait.ge [sflag:s29], $0x1  }
0xb4: {  	[sflag:s29] =	ssyncadd.s32 $0xFFFFFFFF  }
0xb5: {  	_ =	strace $0x9000004F  }
0xb6: {  	_ =	sfence  }
0xb7: {  	s30 =	sld [smem:$0x0];
	_ =	sdelay $0x2  }
0xb8: {  	s31 =	sshll.u32 s1, $0xD;
	s1 =	sshrl.u32 s1, $0x2  }
0xb9: {  	s3 =	sand.u32 $0x4000, s31;
	s1 =	sadd.s32 s1, s30  }
0xba: {  	s0 =	sor.u32 s3, s0;
	s1 =	sshll.u32 s1, $0x11  }
0xbb: {  	s0 =	sor.u32 s1, s0  }
0xbc: {  	s0 =	sadd.s32 $0x8F2B, s0  }
0xbd: {  	[sflag:s0] =	ssyncadd.remote.s32 $0x1  }
0xbe: {  	_ =	sfence.sel $0xFFFF  }
0xbf: {  	[dreg:$0x0] =	wrdreg $0xFFFFFFFF;
	(pc) =	sbr.abs _section_cstart, $3  }
0xc0: {  	[dreg:$0x1] =	wrdreg $0xFFFFFFFF  }
0xc1: {  	_ =	task.clear_ibuf [dreg:s7], $0x2FFFF;
	_ =	strace $0x9FFFFFFF  }
0xc2: {  	(tm) =	ssettm $0x7FFFFFFF  }
0xc3: {  	_ =	shalt  }
tec
execute0_lowered:
.L_overlay_start_1:
0x0: {  	(tag) =	ssettag $0x1  }
0x1: {  	s1 =	rddreg [dreg:$0x0]  }
0x2: {  	s7 =	rddreg [dreg:$0x1]  }
0x3: {  	s0 =	rddreg [dreg:$0x2];
	s2 =	simm.s32 $0x0  }
0x4: {  	s3 =	srdreg.scid;
	s12 =	simm.s32 $0x5;
	s13 =	simm.s32 $0x1A00  }
0x5: {  	s14 =	simm.s32 $0x680;
	s15 =	simm.s32 $0x4;
	s16 =	simm.s32 $0x0  }
0x6: {  	[smem:$0x7FF] =	sst s2;
	s5 =	sand.u32 $0x1, s3;
	s3 =	stileid.u32  }
0x7: {  	s4 =	sadd.s32 $0xA00, s7;
	_ =	strace $0x80000047;
	s6 =	sshll.u32 s5, $0x4  }
0x8: {  	s8 =	ssub.s32 $0x2, s5;
	s5 =	sadd.s32 $0x800, s7;
	s9 =	sor.u32 s3, s6  }
0x9: {  	s10 =	sshrl.u32 s8, $0x1;
	s6 =	sadd.s32 $0x27ACC00, s7;
	s11 =	smul.u32 $0x2080, s9  }
0xa: {  	s7 =	sadd.s32 $0xC00, s7;
	s10 =	ssub.s32 s8, s10;
	s8 =	smul.u32 $0x28, s9  }
0xb: {  	s10 =	smax.u32 s10, $0x1;
	s9 =	sadd.s32 s1, s11;
	s11 =	simm.s32 $0x1380  }
.LBB2_1:
0xc: {  	[tilespmem:s11], [sflag:$0x5] =	stream.linear.gather [hbm4b:s4+s2], $0x680, $0x38;
	[tilespmem:$0x1C080] =	vst v63  }
0xd: {  	_ =	swait.ge [sflag:s12], $0x680  }
0xe: {  	[sflag:s12] =	ssyncset.done $0x0  }
0xf: {  	[sflag:s12] =	ssyncadd.s32 $0xFFFFF980  }
0x10: {  	[tilespmem:s13], [sflag:$0x5] =	stream.linear.gather [hbm4b:s5+s2], $0x680, $0x38;
	[tilespmem:$0x1C080] =	vst v63  }
0x11: {  	_ =	swait.ge [sflag:s12], $0x680  }
0x12: {  	[sflag:s12] =	ssyncset.done $0x0  }
0x13: {  	s17 =	simm.s32 $0x0;
	s18 =	simm.s32 $0x0;
	[sflag:s12] =	ssyncadd.s32 $0xFFFFF980  }
0x14: {  	s19 =	simm.s32 $0x0;
	s20 =	simm.s32 $0x0;
	_ =	strace $0x80000048  }
0x15: {  	[tilespmem:s14], [sflag:$0x1] =	stream.linear.gather [hbm4b:s9+s2], $0x680, $0x200038;
	[tilespmem:$0x1C080] =	vst v63  }
0x16: {  	s21 =	simm.s32 $0x1;
	s22 =	simm.s32 $0x0;
	_ =	strace $0x90000048  }
.LBB2_2:
0x17: {  	s23 =	smov.u32 s17;
	s17 =	sadd.s32 $0x1, s17  }
0x18: {  	p0 =	seq.s32 s17, $0x28  }
0x19: {  	s17 =	simm.s32 @p0 $0x0  }
0x1a: {  	p6 =	sne.s32 s22, $0x27;
	p1 =	sne.s32 s23, s17  }
0x1b: {  	p0 =	por !p6, !p1  }
0x1c: {  	p0 =	por !p0, !p0  }
0x1d: {  	s24 =	sand.u32 @p0 $0x1, s21  }
0x1e: {  	s26 =	sadd.s32 @p0 s8, s17;
	s25 =	smul.u32 @p0 $0x1A00, s24  }
0x1f: {  	s26 =	smul.u32 @p0 $0x680, s26  }
0x20: {  	_ =	strace @p0 $0x80000049  }
0x21: {  	s28 =	simm.s32 @p0 $0x0;
	s25 =	sshrl.u32 @p0 s25, $0x2;
	s26 =	sshrl.u32 @p0 s26, $0x3  }
0x22: {  	s24 =	sadd.s32 @p0 $0x1, s24;
	s25 =	sadd.s32 @p0 $0x680, s25;
	s26 =	sadd.s32 @p0 s1, s26  }
0x23: {  	[tilespmem:s25], [sflag:s24] =	stream.linear.gather @p0 [hbm4b:s26+s28], $0x680, $0x200038;
	[tilespmem:$0x1C080] =	vst v63  }
0x24: {  	s30 =	sand.u32 $0x1, s20;
	_ =	strace @p0 $0x90000049  }
0x25: {  	s31 =	sadd.s32 $0x1, s30;
	_ =	strace $0x8000004A  }
0x26: {  	_ =	swait.ge [sflag:s31], $0x680  }
0x27: {  	[sflag:s31] =	ssyncset.done $0x0  }
0x28: {  	[sflag:s31] =	ssyncadd.s32 $0xFFFFF980  }
0x29: {  	_ =	strace $0x9000004A  }
0x2a: {  	s24 =	simm.s32 $0x0;
	_ =	strace $0x8000004B  }
0x2b: {  	v1 =	vld [tilespmem:s24+$0x1A00];
	_ =	sdelay $0x5  }
0x2c: {  	p2 =	seq.s32 s30, $0x1;
	s25 =	simm.s32 $0xD00  }
0x2d: {  	s25 =	simm.s32 @!p2 $0x680;
	v0 =	vld [tilespmem:s24+$0x1380]  }
0x2e: {  	s23 =	sadd.s32 s8, s23;
	s26 =	simm.s32 $0x10;
	s28 =	simm.s32 $0x80;
	v1 =	vld.idx.msk [tilespmem:v1+s25+$0x0], $0xffff  }
.LBB2_3:
0x2f: {  	p2 =	sne.s32 s28, $0x19C0;
	v2 =	vld [tilespmem:s26+$0x1A00];
	_ =	sdelay $0x3  }
.Ltmp0:
0x30: {  	(pc) =	sbr.rel @p2 .LBB2_3-.Ltmp0, $4  }
0x31: {  	v0 =	vadd.s32 v1, v0  }
0x32: {  	[tilespmem:s24+$0x0] =	vst v0;
	s24 =	smov.u32 s26  }
0x33: {  	v0 =	vld [tilespmem:s24+$0x1380]  }
0x34: {  	s26 =	sshra.s32 s28, $0x2;
	s28 =	sadd.s32 $0x40, s28;
	v1 =	vld.idx.msk [tilespmem:v2+s25+$0x0], $0xffff  }
0x35: {  	v2 =	vld [tilespmem:s26+$0x1A00];
	_ =	sdelay $0x4  }
0x36: {  	v0 =	vadd.s32 v1, v0  }
0x37: {  	[tilespmem:s24+$0x0] =	vst v0  }
0x38: {  	v0 =	vld [tilespmem:s26+$0x1380]  }
0x39: {  	v63 =	vld.idx.msk [tilespmem:v2+s25+$0x0], $0xffff;
	_ =	sdelay $0x1  }
0x3a: {  	s24 =	sand.u32 $0x1, s19  }
0x3b: {  	s31 =	smul.u32 $0x34000, s24;
	_ =	sdelay $0x1  }
0x3c: {  	p2 =	seq.s32 s22, $0x27;
	s25 =	sshrl.u32 s31, $0x2;
	v0 =	vadd.s32 v63, v0  }
0x3d: {  	p1 =	por p2, p1;
	s25 =	sadd.s32 $0x2080, s25;
	[tilespmem:s26+$0x0] =	vst v0  }
0x3e: {  	[tilespmem:s25], [sflag:$0x5] =	stream.indirect.gather [hbm4b:s6+s14], $0x20, s2, s14, $0x2000b8;
	[tilespmem:$0x1C080] =	vst v63  }
0x3f: {  	s23 =	smul.u32 @p1 $0xD000, s23;
	_ =	swait.ge [sflag:s12], $0xD000  }
0x40: {  	[sflag:s12] =	ssyncset.done $0x0  }
0x41: {  	s23 =	sshrl.u32 @p1 s23, $0x3;
	[sflag:s12] =	ssyncadd.s32 $0xFFFF3000  }
0x42: {  	s23 =	sadd.s32 @p1 s7, s23;
	_ =	strace $0x9000004B  }
0x43: {  	s24 =	sadd.s32 @p1 $0x3, s24;
	s26 =	simm.s32 @p1 $0x0;
	_ =	strace @p1 $0x8000004C  }
0x44: {  	[hbm4b:s23+s26] =	stream.linear.scatter @p1 [tilespmem:s25], [sflag:s24], $0xD000, $0x200038;
	[tilespmem:$0x1C080] =	vst v63  }
0x45: {  	s23 =	simm.s32 $0x1  }
0x46: {  	s25 =	simm.s32 $0x1;
	s23 =	simm.s32 @!p0 $0x0;
	p0 =	seq.s32 s22, $0x0  }
0x47: {  	_ =	strace @p1 $0x9000004C;
	s21 =	sadd.s32 s23, s21;
	s23 =	simm.s32 $0x1  }
0x48: {  	s23 =	simm.s32 @!p1 $0x0;
	p1 =	sne.s32 s22, $0x0;
	s22 =	sadd.s32 $0x1, s22  }
0x49: {  	s24 =	sand.u32 @!p0 $0x1, s18;
	s25 =	simm.s32 @!p1 $0x0;
	p1 =	sne.s32 s22, $0x28  }
.Ltmp1:
0x4a: {  	_ =	strace @!p0 $0x8000004D;
	s24 =	sadd.s32 @!p0 $0x3, s24;
	(pc) =	sbr.rel @p1 .LBB2_2-.Ltmp1, $4  }
0x4b: {  	_ =	swait.ge @!p0 [sflag:s24], $0xD000  }
0x4c: {  	[sflag:s24] =	ssyncset.done @!p0 $0x0  }
0x4d: {  	s19 =	sadd.s32 s23, s19;
	[sflag:s24] =	ssyncadd.s32 @!p0 $0xFFFF3000  }
0x4e: {  	s20 =	sadd.s32 s23, s20;
	s18 =	sadd.s32 s25, s18;
	_ =	strace @!p0 $0x9000004D  }
0x4f: {  	s16 =	sadd.s32 $0x1, s16  }
0x50: {  	p0 =	sne.s32 s16, s10  }
.Ltmp2:
0x51: {  	_ =	strace $0x8000004E;
	(pc) =	sbr.rel @p0 .LBB2_1-.Ltmp2, $4  }
0x52: {  	_ =	swait.ge [sflag:s15], $0xD000  }
0x53: {  	[sflag:s15] =	ssyncset.done $0x0  }
0x54: {  	[sflag:s15] =	ssyncadd.s32 $0xFFFF3000  }
0x55: {  	_ =	strace $0x9000004E  }
0x56: {  	_ =	sfence.sel $0x180000  }
0x57: {  	[bflag:$0x0] =	sbarrier.arrive $0xFFFF  }
0x58: {  	p0 =	sne.s32 s3, $0x0;
	_ =	strace $0x90000047  }
0x59: {  	s0 =	sadd.s32 @!p0 $0x100000, s0;
	[bflag:$0x2] =	sbarrier.arrive $0xFFFF  }
0x5a: {  	[sflag:s0] =	ssyncadd.tile.s32 @!p0 $0x1;
	_ =	shalt  }
.Lfunc_end2:
_tile_overlayer_lowered:
.L_overlay_start_2:
0x5b: {  	(tag) =	ssettag $0x2  }
0x5c: {  	s0 =	rddreg [dreg:$0x0];
	s2 =	stileid.u32  }
0x5d: {  	s1 =	rddreg [dreg:$0x1];
	p0 =	sne.s32 s2, $0x0  }
0x5e: {  	s3 =	rddreg [dreg:$0x2];
	[bflag:$0x3] =	sbarrier.arrive $0xFFFF;
	s2 =	simm.s32 @!p0 $0x1C01  }
0x5f: {  	[timem:s3], [sflag:s2] =	dma.local @!p0 [hbm:s0], s1  }
0x60: {  	s0 =	simm.s32 @!p0 $0x1  }
0x61: {  	_ =	swait.ge @!p0 [sflag:s0], s1  }
0x62: {  	s1 =	ssub.s32 @!p0 $0x0, s1;
	[sflag:s0] =	ssyncset.done @!p0 $0x0  }
0x63: {  	[sflag:s0] =	ssyncadd.s32 @!p0 s1  }
0x64: {  	[bflag:$0x3] =	sbarrier.arrive $0xFFFF  }
0x65: {  	_ =	shalt  }

// kernel: sparse-core-data-format-call.cloned.1.call-start
scs
called_computation_lowered:
.L_overlay_start_0:
0x0: {  	s2 =	sld [smem:$0x3FD9]  }
0x1: {  	s3 =	sld [smem:$0x3FFE];
	_ =	sdelay $0x1  }
0x2: {  	s1 =	srdreg.scid  }
0x3: {  	s0 =	sand.u32 $0x1, s1  }
0x4: {  	s18 =	sshll.u32 s0, $0xA;
	s2 =	sadd.s32 s3, s2  }
0x5: {  	s2 =	sadd.s32 s2, s18  }
0x6: {  	[smem:$0x3FC4] =	sst s2  }
0x7: {  	_ = 	snop  }
0x8: {  	s2 =	sld [smem:$0x3FD0];
	(tm) =	ssettm $0x1  }
0x9: {  	s19 =	sld [smem:$0x3FFB];
	_ =	sdelay $0x3  }
0xa: {  	_ =	strace s19  }
0xb: {  	s3 =	sld [smem:$0x3FFC];
	_ =	sdelay $0x3  }
0xc: {  	_ =	strace s3  }
0xd: {  	s3 =	sld [smem:$0x3FFD];
	_ =	sdelay $0x3  }
0xe: {  	_ =	strace s3  }
0xf: {  	_ =	strace $0x8FFFFFFF  }
0x10: {  	s20 =	sld [smem:$0x3FDB];
	_ =	sdelay $0x1  }
0x11: {  	s4 =	simm.s32 $_scs_section_size  }
0x12: {  	s5 =	simm.s32 $_size__tile_overlayer_lowered;
	s6 =	simm.s32 $_tile_overlayer_lowered  }
0x13: {  	s23 =	simm.s32 $0x1BFF;
	s22 =	sshll.u32 s6, $0x1;
	s3 =	sadd.s32 s4, s20  }
0x14: {  	s7 =	simm.s32 $0x0;
	s21 =	sshll.u32 s5, $0x1;
	s5 =	sadd.s32 s22, s3  }
0x15: {  	[timem:s7], [sflag:s23] =	dma.local [hbm:s5], s21  }
0x16: {  	_ =	swait.ge [sflag:s23], s21  }
0x17: {  	s4 =	ssub.s32 $0x0, s21;
	[sflag:s23] =	ssyncset.done $0x0  }
0x18: {  	[sflag:s23] =	ssyncadd.s32 s4;
	_ =	sdelay $0x1  }
0x19: {  	s24 =	simm.s32 $0x1B8B  }
0x1a: {  	_ =	swait.ge [sflag:s24], $0x1  }
0x1b: {  	[sflag:s24] =	ssyncset.done $0x0  }
0x1c: {  	s26 =	simm.s32 $0x1B8E;
	s25 =	sld [smem:$0x3FFE];
	[sflag:s24] =	ssyncadd.s32 $0xFFFFFFFF  }
0x1d: {  	s27 =	simm.s32 $execute0_lowered;
	[smem:$0x3FD2] =	sst s26  }
0x1e: {  	s5 =	sshll.u32 s27, $0x1;
	_ =	strace $0x80000050;
	[dreg:$0x1] =	wrdreg $0xFFFFFFFF  }
0x1f: {  	s28 =	simm.s32 $_size_execute0_lowered;
	s3 =	sadd.s32 s3, s5;
	[dreg:$0x0] =	wrdreg $0x0  }
0x20: {  	s5 =	sshll.u32 s28, $0x1;
	[dreg:$0x2] =	wrdreg s3  }
0x21: {  	[dreg:$0x3] =	wrdreg s5  }
0x22: {  	[dreg:$0x4] =	wrdreg $0xC0  }
0x23: {  	_ =	task [dreg:s7], $0x5FFFF  }
0x24: {  	[dreg:$0x1] =	wrdreg $0xFFFFFFFF  }
0x25: {  	[dreg:$0x0] =	wrdreg $0x60  }
0x26: {  	[dreg:$0x2] =	wrdreg s25  }
0x27: {  	[dreg:$0x3] =	wrdreg s2  }
0x28: {  	[dreg:$0x4] =	wrdreg $0x9  }
0x29: {  	_ =	task.clear_ibuf [dreg:s7], $0x5FFFF;
	_ =	strace $0x90000050  }
0x2a: {  	s29 =	simm.s32 $0x9;
	_ =	strace $0x80000052  }
0x2b: {  	_ =	swait.ge [sflag:s29], $0x1  }
0x2c: {  	[sflag:s29] =	ssyncadd.s32 $0xFFFFFFFF  }
0x2d: {  	_ =	strace $0x90000052  }
0x2e: {  	_ =	sfence  }
0x2f: {  	s30 =	sld [smem:$0x0];
	_ =	sdelay $0x2  }
0x30: {  	s31 =	sshll.u32 s1, $0xD;
	s1 =	sshrl.u32 s1, $0x2  }
0x31: {  	s3 =	sand.u32 $0x4000, s31;
	s1 =	sadd.s32 s1, s30  }
0x32: {  	s0 =	sor.u32 s3, s0;
	s1 =	sshll.u32 s1, $0x11  }
0x33: {  	s0 =	sor.u32 s1, s0  }
0x34: {  	s0 =	sadd.s32 $0x8F2B, s0  }
0x35: {  	[sflag:s0] =	ssyncadd.remote.s32 $0x1  }
0x36: {  	_ =	sfence.sel $0xFFFF  }
0x37: {  	[dreg:$0x0] =	wrdreg $0xFFFFFFFF;
	(pc) =	sbr.abs _section_cstart, $3  }
0x38: {  	[dreg:$0x1] =	wrdreg $0xFFFFFFFF  }
0x39: {  	_ =	task.clear_ibuf [dreg:s7], $0x2FFFF;
	_ =	strace $0x9FFFFFFF  }
0x3a: {  	(tm) =	ssettm $0x7FFFFFFF  }
0x3b: {  	_ =	shalt  }
tec
execute0_lowered:
.L_overlay_start_1:
0x0: {  	(tag) =	ssettag $0x1  }
0x1: {  	s0 =	srdreg.scid  }
0x2: {  	s1 =	sshll.u32 s0, $0x4  }
0x3: {  	s0 =	stileid.u32;
	s1 =	sand.u32 $0x10, s1  }
0x4: {  	s6 =	rddreg [dreg:$0x0];
	s1 =	sor.u32 s0, s1  }
0x5: {  	s4 =	simm.s32 $0x1;
	s7 =	simm.s32 $0x2;
	s2 =	sshll.u32 s1, $0x5  }
0x6: {  	s14 =	simm.s32 $0x0;
	s8 =	simm.s32 $0x1000;
	s1 =	ssub.s32 $0x1000, s2  }
0x7: {  	s9 =	simm.s32 $0x80000;
	s10 =	simm.s32 $0x0;
	s3 =	sand.u32 $0x3E0, s1  }
0x8: {  	s15 =	simm.s32 $0x0;
	s5 =	sshrl.u32 s1, $0xA;
	p0 =	sne.s32 s3, $0x0  }
.Ltmp0:
0x9: {  	s1 =	rddreg [dreg:$0x2];
	s4 =	simm.s32 @!p0 $0x0;
	(pc) =	sbr.rel .LBB1_1-.Ltmp0, $4  }
0xa: {  	s11 =	simm.s32 $0x0;
	s3 =	rddreg [dreg:$0x1];
	s5 =	sadd.s32 s4, s5  }
0xb: {  	_ =	strace $0x80000051;
	s4 =	simm.s32 $0x1;
	s5 =	smul.u32 $0x5, s5  }
0xc: {  	s13 =	simm.s32 $0x0;
	s6 =	sadd.s32 $0x800, s6;
	[sflag:s4] =	ssyncpa.u1 $0x0  }
0xd: {  	s12 =	smov.u32 s2;
	[sflag:s7] =	ssyncpa.u1 $0x0;
	s7 =	sadd.s32 $0x1, s5  }
.LBB1_7:
0xe: {  	s16 =	sadd.s32 $0x4, s11  }
0xf: {  	s14 =	sadd.s32 $0x400, s12;
	s18 =	smov.u32 s12;
	p1 =	sgt.s32 s16, $0x13  }
0x10: {  	s18 =	smov.u32 @p1 s14  }
0x11: {  	s16 =	simm.s32 @p1 $0x0;
	p1 =	sgt.s32 s18, $0xFFF  }
0x12: {  	s18 =	smov.u32 @p1 s2;
	p1 =	sne.s32 s13, s7  }
.Ltmp1:
0x13: {  	p0 =	slt.u32 s13, $0x2;
	(pc) =	sbr.rel @!p1 .LBB1_8-.Ltmp1, $4  }
0x14: {  	s17 =	simm.s32 @!p0 $0x2  }
0x15: {  	s15 =	smov.u32 s12;
	s10 =	sadd.s32 $0x4000, s10;
	_ =	swait.ge @!p0 [sflag:s17], $0x4000  }
0x16: {  	s14 =	smov.u32 s11;
	[sflag:s17] =	ssyncset.done @!p0 $0x0;
	s11 =	smov.u32 s16  }
0x17: {  	s13 =	sadd.s32 $0x1, s13;
	[sflag:s17] =	ssyncadd.s32 @!p0 $0xFFFFC000;
	s12 =	smov.u32 s18  }
.LBB1_1:
0x18: {  	p0 =	sge.u32 s13, s5  }
0x19: {  	s16 =	sand.u32 @!p0 $0x1FFFFFF, s11  }
0x1a: {  	s17 =	smulhi.u32 @!p0 $0xAAAAAAB, s16;
	_ =	sdelay $0x1  }
0x1b: {  	s17 =	smul.u32 @!p0 $0x18, s17  }
0x1c: {  	s18 =	sxor.u32 @!p0 $0xFFFFFFFF, s13;
	s19 =	smul.u32 @!p0 $0x180, s12  }
0x1d: {  	s31 =	sadd.s32 $0xFFFFFFFF, s13;
	s18 =	sshll.u32 @!p0 s18, $0xE;
	s16 =	ssub.s32 @!p0 s16, s17  }
0x1e: {  	s17 =	sand.u32 @!p0 $0x4000, s18;
	s18 =	sadd.s32 @!p0 s6, s19;
	s16 =	sshll.u32 @!p0 s16, $0x4  }
0x1f: {  	s19 =	simm.s32 @!p0 $0xC00;
	s16 =	sadd.s32 @!p0 s16, s18;
	s18 =	simm.s32 @!p0 $0x200  }
0x20: {  	[tilespmem:s17], [sflag:$0x1] =	stream.strided.gather @!p0 [hbm4b:s16+s18], $0x4000, s19, s18, $0x38;
	[tilespmem:$0x10000] =	vst v63  }
0x21: {  	p0 =	sge.u32 s31, s5  }
.Ltmp2:
0x22: {  	_ = 	snop;
	(pc) =	sbr.rel @p0 .LBB1_7-.Ltmp2, $1  }
0x23: {  	_ =	sdelay $0x3  }
0x24: {  	s17 =	sand.u32 $0x4000, s10  }
0x25: {  	_ =	swait.ge [sflag:s4], $0x4000;
	s19 =	sshll.u32 s13, $0xE;
	s16 =	sor.u32 $0x8040, s17  }
0x26: {  	s18 =	sor.u32 $0x40, s17;
	[sflag:s4] =	ssyncset.done $0x0;
	s31 =	sand.u32 $0x4000, s19  }
0x27: {  	s19 =	simm.s32 $0x0;
	[sflag:s4] =	ssyncadd.s32 $0xFFFFC000;
	s17 =	sor.u32 $0x8000, s31  }
.LBB1_3:
0x28: {  	v0 =	vmov s18;
	_ =	sdelay $0x3  }
0x29: {  	s21 =	simm.s32 $0x0  }
0x2a: {  	v6 =	vld.idx.msk [tilespmem:v0+s21+$0x30 ss:$0x1], $0xffff  }
0x2b: {  	v7 =	vld.idx.msk [tilespmem:v0+s21+$0xFFFFFFC0 ss:$0x1], $0xffff  }
0x2c: {  	v5 =	vld.idx.msk [tilespmem:v0+s21+$0xFFFFFFD0 ss:$0x1], $0xffff  }
0x2d: {  	v4 =	vld.idx.msk [tilespmem:v0+s21+$0xFFFFFFE0 ss:$0x1], $0xffff  }
0x2e: {  	v3 =	vld.idx.msk [tilespmem:v0+s21+$0xFFFFFFF0 ss:$0x1], $0xffff  }
0x2f: {  	v1 =	vld.idx.msk [tilespmem:v0+s21+$0x0 ss:$0x1], $0xffff  }
0x30: {  	v2 =	vld.idx.msk [tilespmem:v0+s21+$0x10 ss:$0x1], $0xffff;
	[tilespmem:s16+$0x30] =	vst v6  }
0x31: {  	s20 =	simm.s32 $0x80;
	s22 =	simm.s32 $0x400;
	[tilespmem:s16+$0xFFFFFFC0] =	vst v7;
	v6 =	vld.idx.msk [tilespmem:v0+s21+$0x20 ss:$0x1], $0xffff;
	s21 =	smov.u32 s16  }
.LBB1_4:
0x32: {  	p0 =	sne.s32 s22, $0x600;
	v7 =	vld.idx.msk [tilespmem:v0+s20+$0x30 ss:$0x1], $0xffff;
	[tilespmem:s21+$0xFFFFFFD0] =	vst v5  }
0x33: {  	v8 =	vld.idx.msk [tilespmem:v0+s20+$0xFFFFFFC0 ss:$0x1], $0xffff;
	[tilespmem:s21+$0xFFFFFFE0] =	vst v4  }
0x34: {  	v5 =	vld.idx.msk [tilespmem:v0+s20+$0xFFFFFFD0 ss:$0x1], $0xffff;
	[tilespmem:s21+$0xFFFFFFF0] =	vst v3  }
.Ltmp3:
0x35: {  	v4 =	vld.idx.msk [tilespmem:v0+s20+$0xFFFFFFE0 ss:$0x1], $0xffff;
	[tilespmem:s21+$0x0] =	vst v1;
	(pc) =	sbr.rel @p0 .LBB1_4-.Ltmp3, $4  }
0x36: {  	v3 =	vld.idx.msk [tilespmem:v0+s20+$0xFFFFFFF0 ss:$0x1], $0xffff;
	[tilespmem:s21+$0x10] =	vst v2  }
0x37: {  	v1 =	vld.idx.msk [tilespmem:v0+s20+$0x0 ss:$0x1], $0xffff;
	[tilespmem:s21+$0x20] =	vst v6;
	s21 =	sadd.s32 $0x1000, s21  }
0x38: {  	v2 =	vld.idx.msk [tilespmem:v0+s20+$0x10 ss:$0x1], $0xffff;
	[tilespmem:s21+$0x30] =	vst v7  }
0x39: {  	[tilespmem:s21+$0xFFFFFFC0] =	vst v8;
	v6 =	vld.idx.msk [tilespmem:v0+s20+$0x20 ss:$0x1], $0xffff;
	s20 =	sshra.s32 s22, $0x2;
	s22 =	sadd.s32 $0x200, s22  }
0x3a: {  	_ =	sdelay $0x2  }
0x3b: {  	[tilespmem:s21+$0xFFFFFFD0] =	vst v5  }
0x3c: {  	v56 =	vld.idx.msk [tilespmem:v0+s20+$0x30 ss:$0x1], $0xffff;
	[tilespmem:s21+$0xFFFFFFE0] =	vst v4  }
0x3d: {  	v57 =	vld.idx.msk [tilespmem:v0+s20+$0xFFFFFFC0 ss:$0x1], $0xffff;
	[tilespmem:s21+$0xFFFFFFF0] =	vst v3  }
0x3e: {  	v58 =	vld.idx.msk [tilespmem:v0+s20+$0xFFFFFFD0 ss:$0x1], $0xffff;
	[tilespmem:s21+$0x0] =	vst v1  }
0x3f: {  	v59 =	vld.idx.msk [tilespmem:v0+s20+$0xFFFFFFE0 ss:$0x1], $0xffff;
	[tilespmem:s21+$0x10] =	vst v2  }
0x40: {  	v60 =	vld.idx.msk [tilespmem:v0+s20+$0xFFFFFFF0 ss:$0x1], $0xffff;
	s31 =	sadd.s32 $0x1000, s21;
	[tilespmem:s21+$0x20] =	vst v6  }
0x41: {  	v61 =	vld.idx.msk [tilespmem:v0+s20+$0x0 ss:$0x1], $0xffff;
	[tilespmem:s31+$0x30] =	vst v56  }
0x42: {  	v62 =	vld.idx.msk [tilespmem:v0+s20+$0x10 ss:$0x1], $0xffff;
	s19 =	sadd.s32 $0x1, s19;
	[tilespmem:s31+$0xFFFFFFC0] =	vst v57  }
0x43: {  	v63 =	vld.idx.msk [tilespmem:v0+s20+$0x20 ss:$0x1], $0xffff;
	p0 =	sne.s32 s19, $0x20;
	[tilespmem:s31+$0xFFFFFFD0] =	vst v58  }
.Ltmp4:
0x44: {  	[tilespmem:s31+$0xFFFFFFE0] =	vst v59;
	(pc) =	sbr.rel @p0 .LBB1_3-.Ltmp4, $4  }
0x45: {  	[tilespmem:s31+$0xFFFFFFF0] =	vst v60  }
0x46: {  	[tilespmem:s31+$0x0] =	vst v61  }
0x47: {  	[tilespmem:s31+$0x10] =	vst v62  }
0x48: {  	s16 =	sadd.s32 $0x80, s16;
	s18 =	sadd.s32 $0x200, s18;
	[tilespmem:s31+$0x20] =	vst v63  }
.Ltmp5:
0x49: {  	s15 =	sshll.u32 s15, $0x4;
	(pc) =	sbr.rel .LBB1_7-.Ltmp5, $4  }
0x4a: {  	s15 =	sand.u32 $0xFFF0, s15  }
0x4b: {  	s14 =	sshll.u32 s14, $0x10;
	s15 =	sadd.s32 s3, s15  }
0x4c: {  	s14 =	sadd.s32 s14, s15  }
0x4d: {  	[hbm4b:s14+s8] =	stream.strided.scatter [tilespmem:s17], [sflag:$0x2], $0x4000, s9, s8, $0x38;
	[tilespmem:$0x10000] =	vst v63  }
.LBB1_8:
0x4e: {  	_ =	sfence.sel $0x180000  }
0x4f: {  	s2 =	simm.s32 $0x1;
	[bflag:$0x0] =	sbarrier.arrive $0xFFFF  }
0x50: {  	s31 =	simm.s32 $0x2;
	[sflag:s2] =	ssyncpa.u1 $0x1  }
0x51: {  	[sflag:s31] =	ssyncpa.u1 $0x1  }
0x52: {  	p0 =	sne.s32 s0, $0x0;
	_ =	strace $0x90000051  }
0x53: {  	s0 =	sadd.s32 @!p0 $0x100000, s1;
	[bflag:$0x2] =	sbarrier.arrive $0xFFFF  }
0x54: {  	[sflag:s0] =	ssyncadd.tile.s32 @!p0 $0x1;
	_ =	shalt  }
.Lfunc_end1:
_tile_overlayer_lowered:
.L_overlay_start_2:
0x55: {  	(tag) =	ssettag $0x2  }
0x56: {  	s0 =	rddreg [dreg:$0x0];
	s2 =	stileid.u32  }
0x57: {  	s1 =	rddreg [dreg:$0x1];
	p0 =	sne.s32 s2, $0x0  }
0x58: {  	s3 =	rddreg [dreg:$0x2];
	[bflag:$0x3] =	sbarrier.arrive $0xFFFF;
	s2 =	simm.s32 @!p0 $0x1C01  }
0x59: {  	[timem:s3], [sflag:s2] =	dma.local @!p0 [hbm:s0], s1  }
0x5a: {  	s0 =	simm.s32 @!p0 $0x1  }
0x5b: {  	_ =	swait.ge @!p0 [sflag:s0], s1  }
0x5c: {  	s1 =	ssub.s32 @!p0 $0x0, s1;
	[sflag:s0] =	ssyncset.done @!p0 $0x0  }
0x5d: {  	[sflag:s0] =	ssyncadd.s32 @!p0 s1  }
0x5e: {  	[bflag:$0x3] =	sbarrier.arrive $0xFFFF  }
0x5f: {  	_ =	shalt  }

</sc_bundles>
